<compile_context>
chip_gen: v7x
topology: tpu7x:2x2x1
jax: 0.10.2.dev20260603
libtpu: 0.0.44.dev20260713+nightly
codegen_flags: <defaults>
</compile_context>

<pallas_src>
import dataclasses
import functools

import jax
import jax.numpy as jnp
from jax import lax
from jax.experimental import pallas as pl
from jax.experimental.pallas import tpu as pltpu
from jax.experimental.pallas import tpu_sc as plsc

_GAIN = 2.0
_SPARSITY = 0.25
_SC_ROWS = 32




def _pack15(lo, hi):
    return lo | lax.shift_left(hi, jnp.int32(16)) | jnp.int32(-2147450880)


def _swar_count(packed, cand):
    cc = cand | lax.shift_left(cand, jnp.int32(16))
    ones = lax.shift_right_logical(packed - cc, jnp.int32(15)) & jnp.int32(0x00010001)
    s = jnp.sum(ones, axis=1, keepdims=True)
    return (s & jnp.int32(0xFFFF)) + lax.shift_right_logical(s, jnp.int32(16))


def _tc_kernel_body(x_ref, o_ref, ukey_ref, pk_ref, *, k):
    int_min = jnp.int32(-2147483648)
    x = x_ref[...]
    u = lax.bitcast_convert_type(x, jnp.int32)
    m = lax.shift_right_arithmetic(u, jnp.int32(31))
    ukey = u ^ (m | int_min)
    ukey_ref[...] = ukey

    rows, n = x.shape
    h = n // 2
    ki = jnp.int32(k)

    uk15 = lax.shift_right_logical(ukey, jnp.int32(17))
    pk_ref[...] = _pack15(uk15[:, :h], uk15[:, h:])

    def body15(i, t_b):
        bit = jnp.int32(14) - i
        cand = t_b | lax.shift_left(jnp.int32(1), bit)
        cnt = _swar_count(pk_ref[...], cand)
        return jnp.where(cnt >= ki, cand, t_b)

    t15 = lax.fori_loop(0, 15, body15, jnp.zeros((rows, 1), jnp.int32), unroll=3)

    w = jnp.clip(
        lax.shift_right_logical(ukey_ref[...], jnp.int32(2))
        - lax.shift_left(t15, jnp.int32(15)),
        jnp.int32(0),
        jnp.int32(32767),
    )
    pk_ref[...] = _pack15(w[:, :h], w[:, h:])

    def body9(i, t_b):
        bit = jnp.int32(14) - i
        cand = t_b | lax.shift_left(jnp.int32(1), bit)
        cnt = _swar_count(pk_ref[...], cand)
        return jnp.where(cnt >= ki, cand, t_b)

    b2 = lax.fori_loop(0, 9, body9, jnp.zeros((rows, 1), jnp.int32), unroll=3)

    t_u = lax.shift_left(t15, jnp.int32(17)) | lax.shift_left(b2, jnp.int32(2))
    t_s = t_u ^ int_min
    tm = lax.shift_right_arithmetic(t_s, jnp.int32(31))
    t_f = lax.bitcast_convert_type(t_s ^ (tm & jnp.int32(0x7FFFFFFF)), jnp.float32)
    o_ref[...] = jnp.where(x >= t_f, x * jnp.float32(_GAIN), jnp.float32(0.0))


def _tc_topk(x, k):
    rows, n = x.shape
    blk = 32
    return pl.pallas_call(
        functools.partial(_tc_kernel_body, k=k),
        grid=(rows // blk,),
        in_specs=[pl.BlockSpec((blk, n), lambda i: (i, 0))],
        out_specs=pl.BlockSpec((blk, n), lambda i: (i, 0)),
        out_shape=jax.ShapeDtypeStruct((rows, n), x.dtype),
        scratch_shapes=[
            pltpu.VMEM((blk, n), jnp.int32),
            pltpu.VMEM((blk, n // 2), jnp.int32),
        ],
    )(x)


def _tc_topk_partial(x, k, a):
    rows, n = x.shape
    blk = 32
    return pl.pallas_call(
        functools.partial(_tc_kernel_body, k=k),
        grid=(a // blk,),
        in_specs=[pl.BlockSpec((blk, n), lambda i: (i, 0))],
        out_specs=pl.BlockSpec((blk, n), lambda i: (i, 0)),
        out_shape=jax.ShapeDtypeStruct((rows, n), x.dtype),
        scratch_shapes=[
            pltpu.VMEM((blk, n), jnp.int32),
            pltpu.VMEM((blk, n // 2), jnp.int32),
        ],
    )(x)




def _sc_topk(xs, k, row_offset, rows):
    n = xs.shape[1]
    h = n // 2
    nw = 32
    rpw = rows // nw
    mesh = plsc.VectorSubcoreMesh(core_axis_name="c", subcore_axis_name="s")
    cp = pltpu.CompilerParams()
    if "needs_layout_passes" in pltpu.CompilerParams.__dataclass_fields__:
        cp = dataclasses.replace(cp, needs_layout_passes=False)

    @functools.partial(
        pl.kernel,
        mesh=mesh,
        compiler_params=cp,
        out_type=jax.ShapeDtypeStruct((rows, n), jnp.float32),
        scratch_types=[
            pltpu.VMEM((n,), jnp.float32),
            pltpu.VMEM((n,), jnp.int32),
            pltpu.VMEM((h,), jnp.int32),
        ],
    )
    def sck(x_hbm, o_hbm, xv, ukv, pk):
        int_min = jnp.int32(-2147483648)
        ki = jnp.int32(k)
        wid = lax.axis_index("s") * 2 + lax.axis_index("c")

        def ukey_of(xf):
            u = lax.bitcast_convert_type(xf, jnp.int32)
            m = lax.shift_right_arithmetic(u, jnp.int32(31))
            return u ^ (m | int_min)

        def count(cand):
            cc = cand | lax.shift_left(cand, jnp.int32(16))

            def one(j):
                v = pk[pl.ds(j * 16, 16)]
                return lax.shift_right_logical(v - cc, jnp.int32(15)) & jnp.int32(
                    0x00010001
                )

            def cbody(j, accs):
                a0, a1, a2, a3 = accs
                b = j * 4
                return (
                    a0 + one(b),
                    a1 + one(b + 1),
                    a2 + one(b + 2),
                    a3 + one(b + 3),
                )

            z = jnp.zeros((16,), jnp.int32)
            a0, a1, a2, a3 = lax.fori_loop(
                0, h // 64, cbody, (z, z, z, z), unroll=4
            )
            s = jnp.sum((a0 + a1) + (a2 + a3))
            return (s & jnp.int32(0xFFFF)) + lax.shift_right_logical(
                s, jnp.int32(16)
            )

        def descend(nbits):
            def dbody(i, t_b):
                bit = jnp.int32(14) - i
                cand = t_b | lax.shift_left(jnp.int32(1), bit)
                return jnp.where(count(cand) >= ki, cand, t_b)

            return lax.fori_loop(0, nbits, dbody, jnp.int32(0))

        for r in range(rpw):
            row = wid * rpw + r
            pltpu.sync_copy(x_hbm.at[row_offset + row], xv)

            @pl.loop(0, h // 16)
            def _(j):
                i = j * 16
                klo = ukey_of(xv[pl.ds(i, 16)])
                khi = ukey_of(xv[pl.ds(h + i, 16)])
                ukv[pl.ds(i, 16)] = klo
                ukv[pl.ds(h + i, 16)] = khi
                pk[pl.ds(i, 16)] = _pack15(
                    lax.shift_right_logical(klo, jnp.int32(17)),
                    lax.shift_right_logical(khi, jnp.int32(17)),
                )

            t15 = descend(15)
            t15s = lax.shift_left(t15, jnp.int32(15))

            @pl.loop(0, h // 16)
            def _(j):
                i = j * 16
                wlo = jnp.clip(
                    lax.shift_right_logical(ukv[pl.ds(i, 16)], jnp.int32(2)) - t15s,
                    jnp.int32(0),
                    jnp.int32(32767),
                )
                whi = jnp.clip(
                    lax.shift_right_logical(ukv[pl.ds(h + i, 16)], jnp.int32(2))
                    - t15s,
                    jnp.int32(0),
                    jnp.int32(32767),
                )
                pk[pl.ds(i, 16)] = _pack15(wlo, whi)

            b2 = descend(6)

            t_u = lax.shift_left(t15, jnp.int32(17)) | lax.shift_left(
                b2, jnp.int32(2)
            )
            t_s = t_u ^ int_min
            tm = lax.shift_right_arithmetic(t_s, jnp.int32(31))
            t_f = lax.bitcast_convert_type(
                t_s ^ (tm & jnp.int32(0x7FFFFFFF)), jnp.float32
            )

            @pl.loop(0, n // 16)
            def _(j):
                i = j * 16
                v = xv[pl.ds(i, 16)]
                xv[pl.ds(i, 16)] = jnp.where(
                    v >= t_f, v * jnp.float32(_GAIN), jnp.float32(0.0)
                )

            pltpu.sync_copy(xv, o_hbm.at[row])

    return sck(xs)




def kernel(x):
    rows, n = x.shape
    k = max(1, int(n * _SPARSITY))
    if rows > _SC_ROWS and (rows - _SC_ROWS) % 32 == 0:
        a = rows - _SC_ROWS
        out_sc = _sc_topk(x, k, a, _SC_ROWS)
        out_tc = _tc_topk_partial(x, k, a)
        return lax.dynamic_update_slice(out_tc, out_sc, (a, 0))
    return _tc_topk(x, k)

# --- scband reference (transcript-rebuilt; emitter-appended) ---
"""Pipeline reference for scband-top-kactivation-2491081032418 (READ-ONLY COPY).

The authoritative reference and input builder live on the scoring server;
editing this copy changes nothing except your own understanding.
"""

import jax, jax.numpy as jnp
import numpy as np

SPARSITY = 0.25
GAIN = 2.0


def setup_inputs(seed: int = 0) -> dict:
    key = jax.random.key(seed)
    x = jax.random.normal(key, (128, 32768), dtype=jnp.float32)
    return {"x": x}


def reference(x):
    k = int(x.shape[1] * SPARSITY)
    if k < 1:
        k = 1
    # top-k along dim=1 (last axis for 2D input)
    topk_values, topk_indices = jax.lax.top_k(x, k)
    rows = jnp.arange(x.shape[0])[:, None]
    mask = jnp.zeros_like(x).at[rows, topk_indices].set(1.0)
    return x * mask * GAIN

if __name__ == "__main__":
    import jax
    _d = setup_inputs()
    print(jax.jit(kernel)(*tuple(_d.values())))

</pallas_src>

<mosaic_0001>
#map = affine_map<(d0, d1) -> (0, 0)>
module attributes {stable_mosaic.version = 14 : i64} {
  func.func @sck(%arg0: i32, %arg1: i32, %arg2: memref<128x32768xf32, #tpu.memory_space<hbm>>, %arg3: memref<32x32768xf32, #tpu.memory_space<hbm>>, %arg4: memref<32768xf32, #tpu.memory_space<vmem>>, %arg5: memref<32768xi32, #tpu.memory_space<vmem>>, %arg6: memref<16384xi32, #tpu.memory_space<vmem>>) attributes {dimension_semantics = [#tpu.dimension_semantics<core_parallel>, #tpu.dimension_semantics<subcore_parallel>], iteration_bounds = array<i64: 2, 16>, scalar_prefetch = 0 : i64, scratch_operands = 3 : i64, tpu.core_type = #tpu.core_type<sc_vector_subcore>, window_params = [{transform_indices = #map}, {transform_indices = #map}]} {
    %mul3A = arith.constant 2 : i32
    %mul3A_0 = arith.muli %arg1, %mul3A : i32
    %add3A = arith.addi %mul3A_0, %arg0 : i32
    %mul3A_1 = arith.constant 1 : i32
    %mul3A_2 = arith.muli %add3A, %mul3A_1 : i32
    %add3A_3 = arith.constant 0 : i32
    %add3A_4 = arith.addi %mul3A_2, %add3A_3 : i32
    %add3A_5 = arith.constant 96 : i32
    %add3A_6 = arith.addi %add3A_5, %add3A_4 : i32
    "tpu.region"() ({
      %run_scoped3A = tpu.sem_alloc : memref<!tpu.dma_semaphore, #tpu.memory_space<semaphore_mem>>
      %dma_start3A = arith.constant 0 : i32
      %dma_start3A_47 = tpu.memref_slice %arg2[%add3A_6, %dma_start3A] : memref<128x32768xf32, #tpu.memory_space<hbm>> -> memref<1x32768xf32, #tpu.memory_space<hbm>>
      %dma_start3A_48 = tpu.memref_squeeze %dma_start3A_47 : memref<1x32768xf32, #tpu.memory_space<hbm>> -> memref<32768xf32, #tpu.memory_space<hbm>>
      %dma_start3A_49 = arith.constant 0 : i32
      %dma_start3A_50 = tpu.memref_slice %arg2[%add3A_6, %dma_start3A_49] : memref<128x32768xf32, #tpu.memory_space<hbm>> -> memref<1x32768xf32, #tpu.memory_space<hbm>>
      %dma_start3A_51 = tpu.memref_squeeze %dma_start3A_50 : memref<1x32768xf32, #tpu.memory_space<hbm>> -> memref<32768xf32, #tpu.memory_space<hbm>>
      tpu.enqueue_dma source(%dma_start3A_51 : memref<32768xf32, #tpu.memory_space<hbm>>) target(%arg4 : memref<32768xf32, #tpu.memory_space<vmem>>) target_semaphore(%run_scoped3A : memref<!tpu.dma_semaphore, #tpu.memory_space<semaphore_mem>>)
      %dma_wait3A = arith.constant 0 : i32
      %dma_wait3A_52 = tpu.memref_slice %arg2[%add3A_6, %dma_wait3A] : memref<128x32768xf32, #tpu.memory_space<hbm>> -> memref<1x32768xf32, #tpu.memory_space<hbm>>
      %dma_wait3A_53 = tpu.memref_squeeze %dma_wait3A_52 : memref<1x32768xf32, #tpu.memory_space<hbm>> -> memref<32768xf32, #tpu.memory_space<hbm>>
      %dma_wait3A_54 = arith.constant 0 : i32
      %dma_wait3A_55 = tpu.memref_slice %arg2[%add3A_6, %dma_wait3A_54] : memref<128x32768xf32, #tpu.memory_space<hbm>> -> memref<1x32768xf32, #tpu.memory_space<hbm>>
      %dma_wait3A_56 = tpu.memref_squeeze %dma_wait3A_55 : memref<1x32768xf32, #tpu.memory_space<hbm>> -> memref<32768xf32, #tpu.memory_space<hbm>>
      tpu.wait_dma2 semaphore(%run_scoped3A : memref<!tpu.dma_semaphore, #tpu.memory_space<semaphore_mem>>) src(%dma_wait3A_56 : memref<32768xf32, #tpu.memory_space<hbm>>) dst(%arg4 : memref<32768xf32, #tpu.memory_space<vmem>>)
      tpu.yield
    }) : () -> ()
    %scan3A = arith.constant -2147483648 : i32
    %scan3A_7 = arith.constant 0 : i32
    %scan3A_8 = arith.constant 1024 : i32
    %scan3A_9 = arith.addi %scan3A_7, %scan3A_8 : i32
    %scan3A_10 = arith.constant 1 : i32
    scf.for %scan3A_47 = %scan3A_7 to %scan3A_9 step %scan3A_10  : i32 {
      %mul3A_48 = arith.constant 1 : i32
      %mul3A_49 = arith.muli %scan3A_47, %mul3A_48 : i32
      %add3A_50 = arith.constant 0 : i32
      %add3A_51 = arith.addi %add3A_50, %mul3A_49 : i32
      %mul3A_52 = arith.constant 16 : i32
      %mul3A_53 = arith.muli %add3A_51, %mul3A_52 : i32
      %get3A = arith.index_cast %mul3A_53 : i32 to index
      %get3A_54 = tpu.vector_load %arg4[%get3A] {strides = array<i32>} : memref<32768xf32, #tpu.memory_space<vmem>>, vector<16xf32>,
      %bitcast_convert_type3A_55 = tpu.bitcast %get3A_54 : vector<16xf32> -> vector<16xi32>
      %shift_right_arithmetic3A_56 = arith.constant 31 : i32
      %shift_right_arithmetic3A_57 = vector.broadcast %shift_right_arithmetic3A_56 : i32 to vector<16xi32>
      %shift_right_arithmetic3A_58 = arith.shrsi %bitcast_convert_type3A_55, %shift_right_arithmetic3A_57 : vector<16xi32>
      %or3A_59 = vector.broadcast %scan3A : i32 to vector<16xi32>
      %or3A_60 = arith.ori %shift_right_arithmetic3A_58, %or3A_59 : vector<16xi32>
      %xor3A_61 = arith.xori %bitcast_convert_type3A_55, %or3A_60 : vector<16xi32>
      %add3A_62 = arith.constant 16384 : i32
      %add3A_63 = arith.addi %add3A_62, %mul3A_53 : i32
      %get3A_64 = arith.index_cast %add3A_63 : i32 to index
      %get3A_65 = tpu.vector_load %arg4[%get3A_64] {strides = array<i32>} : memref<32768xf32, #tpu.memory_space<vmem>>, vector<16xf32>,
      %bitcast_convert_type3A_66 = tpu.bitcast %get3A_65 : vector<16xf32> -> vector<16xi32>
      %shift_right_arithmetic3A_67 = arith.constant 31 : i32
      %shift_right_arithmetic3A_68 = vector.broadcast %shift_right_arithmetic3A_67 : i32 to vector<16xi32>
      %shift_right_arithmetic3A_69 = arith.shrsi %bitcast_convert_type3A_66, %shift_right_arithmetic3A_68 : vector<16xi32>
      %or3A_70 = vector.broadcast %scan3A : i32 to vector<16xi32>
      %or3A_71 = arith.ori %shift_right_arithmetic3A_69, %or3A_70 : vector<16xi32>
      %xor3A_72 = arith.xori %bitcast_convert_type3A_66, %or3A_71 : vector<16xi32>
      %swap3A = arith.index_cast %mul3A_53 : i32 to index
      %swap3A_73 = tpu.vector_load %arg5[%swap3A] {strides = array<i32>} : memref<32768xi32, #tpu.memory_space<vmem>>, vector<16xi32>,
      tpu.vector_store %arg5[%swap3A], %xor3A_61 {strides = array<i32>} : memref<32768xi32, #tpu.memory_space<vmem>>, vector<16xi32>,
      %add3A_74 = arith.constant 16384 : i32
      %add3A_75 = arith.addi %add3A_74, %mul3A_53 : i32
      %swap3A_76 = arith.index_cast %add3A_75 : i32 to index
      %swap3A_77 = tpu.vector_load %arg5[%swap3A_76] {strides = array<i32>} : memref<32768xi32, #tpu.memory_space<vmem>>, vector<16xi32>,
      tpu.vector_store %arg5[%swap3A_76], %xor3A_72 {strides = array<i32>} : memref<32768xi32, #tpu.memory_space<vmem>>, vector<16xi32>,
      %shift_right_logical3A = arith.constant 17 : i32
      %shift_right_logical3A_78 = vector.broadcast %shift_right_logical3A : i32 to vector<16xi32>
      %shift_right_logical3A_79 = arith.shrui %xor3A_61, %shift_right_logical3A_78 : vector<16xi32>
      %shift_right_logical3A_80 = arith.constant 17 : i32
      %shift_right_logical3A_81 = vector.broadcast %shift_right_logical3A_80 : i32 to vector<16xi32>
      %shift_right_logical3A_82 = arith.shrui %xor3A_72, %shift_right_logical3A_81 : vector<16xi32>
      %shift_left3A_83 = arith.constant 16 : i32
      %shift_left3A_84 = vector.broadcast %shift_left3A_83 : i32 to vector<16xi32>
      %shift_left3A_85 = arith.shli %shift_right_logical3A_82, %shift_left3A_84 : vector<16xi32>
      %or3A_86 = arith.ori %shift_right_logical3A_79, %shift_left3A_85 : vector<16xi32>
      %or3A_87 = arith.constant -2147450880 : i32
      %or3A_88 = vector.broadcast %or3A_87 : i32 to vector<16xi32>
      %or3A_89 = arith.ori %or3A_86, %or3A_88 : vector<16xi32>
      %swap3A_90 = arith.index_cast %mul3A_53 : i32 to index
      %swap3A_91 = tpu.vector_load %arg6[%swap3A_90] {strides = array<i32>} : memref<16384xi32, #tpu.memory_space<vmem>>, vector<16xi32>,
      tpu.vector_store %arg6[%swap3A_90], %or3A_89 {strides = array<i32>} : memref<16384xi32, #tpu.memory_space<vmem>>, vector<16xi32>,
    }
    %scan3A_11 = arith.constant 1024 : i32
    %scan3A_12 = arith.constant 8192 : i32
    %scan3A_13 = arith.constant 0 : i32
    %scan3A_14 = arith.constant 0 : i32
    %scan3A_15 = arith.constant 15 : i32
    %scan3A_16 = arith.addi %scan3A_14, %scan3A_15 : i32
    %scan3A_17 = arith.constant 1 : i32
    %scan3A_18 = scf.for %scan3A_47 = %scan3A_14 to %scan3A_16 step %scan3A_17 iter_args(%scan3A_48 = %scan3A_13) -> (i32)  : i32 {
      %sub3A = arith.constant 14 : i32
      %sub3A_49 = arith.subi %sub3A, %scan3A_47 : i32
      %shift_left3A_50 = arith.constant 1 : i32
      %shift_left3A_51 = arith.shli %shift_left3A_50, %sub3A_49 : i32
      %or3A_52 = arith.ori %scan3A_48, %shift_left3A_51 : i32
      %shift_left3A_53 = arith.constant 16 : i32
      %shift_left3A_54 = arith.shli %or3A_52, %shift_left3A_53 : i32
      %or3A_55 = arith.ori %or3A_52, %shift_left3A_54 : i32
      %broadcast_in_dim3A = arith.constant 0 : i32
      %broadcast_in_dim3A_56 = vector.broadcast %broadcast_in_dim3A : i32 to vector<16xi32>
      %scan3A_57 = arith.constant 0 : i32
      %scan3A_58 = arith.constant 256 : i32
      %scan3A_59 = arith.addi %scan3A_57, %scan3A_58 : i32
      %scan3A_60 = arith.constant 4 : i32
      %scan3A_61:4 = scf.for %scan3A_73 = %scan3A_57 to %scan3A_59 step %scan3A_60 iter_args(%scan3A_74 = %broadcast_in_dim3A_56, %scan3A_75 = %broadcast_in_dim3A_56, %scan3A_76 = %broadcast_in_dim3A_56, %scan3A_77 = %broadcast_in_dim3A_56) -> (vector<16xi32>, vector<16xi32>, vector<16xi32>, vector<16xi32>)  : i32 {
        %mul3A_78 = arith.constant 4 : i32
        %mul3A_79 = arith.muli %scan3A_73, %mul3A_78 : i32
        %mul3A_80 = arith.constant 16 : i32
        %mul3A_81 = arith.muli %mul3A_79, %mul3A_80 : i32
        %get3A = arith.index_cast %mul3A_81 : i32 to index
        %get3A_82 = tpu.vector_load %arg6[%get3A] {strides = array<i32>} : memref<16384xi32, #tpu.memory_space<vmem>>, vector<16xi32>,
        %sub3A_83 = vector.broadcast %or3A_55 : i32 to vector<16xi32>
        %sub3A_84 = arith.subi %get3A_82, %sub3A_83 : vector<16xi32>
        %shift_right_logical3A_85 = arith.constant 15 : i32
        %shift_right_logical3A_86 = vector.broadcast %shift_right_logical3A_85 : i32 to vector<16xi32>
        %shift_right_logical3A_87 = arith.shrui %sub3A_84, %shift_right_logical3A_86 : vector<16xi32>
        %and3A_88 = arith.constant 65537 : i32
        %and3A_89 = vector.broadcast %and3A_88 : i32 to vector<16xi32>
        %and3A_90 = arith.andi %shift_right_logical3A_87, %and3A_89 : vector<16xi32>
        %add3A_91 = arith.addi %scan3A_74, %and3A_90 : vector<16xi32>
        %add3A_92 = arith.constant 1 : i32
        %add3A_93 = arith.addi %mul3A_79, %add3A_92 : i32
        %mul3A_94 = arith.constant 16 : i32
        %mul3A_95 = arith.muli %add3A_93, %mul3A_94 : i32
        %get3A_96 = arith.index_cast %mul3A_95 : i32 to index
        %get3A_97 = tpu.vector_load %arg6[%get3A_96] {strides = array<i32>} : memref<16384xi32, #tpu.memory_space<vmem>>, vector<16xi32>,
        %sub3A_98 = vector.broadcast %or3A_55 : i32 to vector<16xi32>
        %sub3A_99 = arith.subi %get3A_97, %sub3A_98 : vector<16xi32>
        %shift_right_logical3A_100 = arith.constant 15 : i32
        %shift_right_logical3A_101 = vector.broadcast %shift_right_logical3A_100 : i32 to vector<16xi32>
        %shift_right_logical3A_102 = arith.shrui %sub3A_99, %shift_right_logical3A_101 : vector<16xi32>
        %and3A_103 = arith.constant 65537 : i32
        %and3A_104 = vector.broadcast %and3A_103 : i32 to vector<16xi32>
        %and3A_105 = arith.andi %shift_right_logical3A_102, %and3A_104 : vector<16xi32>
        %add3A_106 = arith.addi %scan3A_75, %and3A_105 : vector<16xi32>
        %add3A_107 = arith.constant 2 : i32
        %add3A_108 = arith.addi %mul3A_79, %add3A_107 : i32
        %mul3A_109 = arith.constant 16 : i32
        %mul3A_110 = arith.muli %add3A_108, %mul3A_109 : i32
        %get3A_111 = arith.index_cast %mul3A_110 : i32 to index
        %get3A_112 = tpu.vector_load %arg6[%get3A_111] {strides = array<i32>} : memref<16384xi32, #tpu.memory_space<vmem>>, vector<16xi32>,
        %sub3A_113 = vector.broadcast %or3A_55 : i32 to vector<16xi32>
        %sub3A_114 = arith.subi %get3A_112, %sub3A_113 : vector<16xi32>
        %shift_right_logical3A_115 = arith.constant 15 : i32
        %shift_right_logical3A_116 = vector.broadcast %shift_right_logical3A_115 : i32 to vector<16xi32>
        %shift_right_logical3A_117 = arith.shrui %sub3A_114, %shift_right_logical3A_116 : vector<16xi32>
        %and3A_118 = arith.constant 65537 : i32
        %and3A_119 = vector.broadcast %and3A_118 : i32 to vector<16xi32>
        %and3A_120 = arith.andi %shift_right_logical3A_117, %and3A_119 : vector<16xi32>
        %add3A_121 = arith.addi %scan3A_76, %and3A_120 : vector<16xi32>
        %add3A_122 = arith.constant 3 : i32
        %add3A_123 = arith.addi %mul3A_79, %add3A_122 : i32
        %mul3A_124 = arith.constant 16 : i32
        %mul3A_125 = arith.muli %add3A_123, %mul3A_124 : i32
        %get3A_126 = arith.index_cast %mul3A_125 : i32 to index
        %get3A_127 = tpu.vector_load %arg6[%get3A_126] {strides = array<i32>} : memref<16384xi32, #tpu.memory_space<vmem>>, vector<16xi32>,
        %sub3A_128 = vector.broadcast %or3A_55 : i32 to vector<16xi32>
        %sub3A_129 = arith.subi %get3A_127, %sub3A_128 : vector<16xi32>
        %shift_right_logical3A_130 = arith.constant 15 : i32
        %shift_right_logical3A_131 = vector.broadcast %shift_right_logical3A_130 : i32 to vector<16xi32>
        %shift_right_logical3A_132 = arith.shrui %sub3A_129, %shift_right_logical3A_131 : vector<16xi32>
        %and3A_133 = arith.constant 65537 : i32
        %and3A_134 = vector.broadcast %and3A_133 : i32 to vector<16xi32>
        %and3A_135 = arith.andi %shift_right_logical3A_132, %and3A_134 : vector<16xi32>
        %add3A_136 = arith.addi %scan3A_77, %and3A_135 : vector<16xi32>
        %scan3A_137 = arith.constant 1 : i32
        %scan3A_138 = arith.addi %scan3A_73, %scan3A_137 : i32
        %mul3A_139 = arith.constant 4 : i32
        %mul3A_140 = arith.muli %scan3A_138, %mul3A_139 : i32
        %mul3A_141 = arith.constant 16 : i32
        %mul3A_142 = arith.muli %mul3A_140, %mul3A_141 : i32
        %get3A_143 = arith.index_cast %mul3A_142 : i32 to index
        %get3A_144 = tpu.vector_load %arg6[%get3A_143] {strides = array<i32>} : memref<16384xi32, #tpu.memory_space<vmem>>, vector<16xi32>,
        %sub3A_145 = vector.broadcast %or3A_55 : i32 to vector<16xi32>
        %sub3A_146 = arith.subi %get3A_144, %sub3A_145 : vector<16xi32>
        %shift_right_logical3A_147 = arith.constant 15 : i32
        %shift_right_logical3A_148 = vector.broadcast %shift_right_logical3A_147 : i32 to vector<16xi32>
        %shift_right_logical3A_149 = arith.shrui %sub3A_146, %shift_right_logical3A_148 : vector<16xi32>
        %and3A_150 = arith.constant 65537 : i32
        %and3A_151 = vector.broadcast %and3A_150 : i32 to vector<16xi32>
        %and3A_152 = arith.andi %shift_right_logical3A_149, %and3A_151 : vector<16xi32>
        %add3A_153 = arith.addi %add3A_91, %and3A_152 : vector<16xi32>
        %add3A_154 = arith.constant 1 : i32
        %add3A_155 = arith.addi %mul3A_140, %add3A_154 : i32
        %mul3A_156 = arith.constant 16 : i32
        %mul3A_157 = arith.muli %add3A_155, %mul3A_156 : i32
        %get3A_158 = arith.index_cast %mul3A_157 : i32 to index
        %get3A_159 = tpu.vector_load %arg6[%get3A_158] {strides = array<i32>} : memref<16384xi32, #tpu.memory_space<vmem>>, vector<16xi32>,
        %sub3A_160 = vector.broadcast %or3A_55 : i32 to vector<16xi32>
        %sub3A_161 = arith.subi %get3A_159, %sub3A_160 : vector<16xi32>
        %shift_right_logical3A_162 = arith.constant 15 : i32
        %shift_right_logical3A_163 = vector.broadcast %shift_right_logical3A_162 : i32 to vector<16xi32>
        %shift_right_logical3A_164 = arith.shrui %sub3A_161, %shift_right_logical3A_163 : vector<16xi32>
        %and3A_165 = arith.constant 65537 : i32
        %and3A_166 = vector.broadcast %and3A_165 : i32 to vector<16xi32>
        %and3A_167 = arith.andi %shift_right_logical3A_164, %and3A_166 : vector<16xi32>
        %add3A_168 = arith.addi %add3A_106, %and3A_167 : vector<16xi32>
        %add3A_169 = arith.constant 2 : i32
        %add3A_170 = arith.addi %mul3A_140, %add3A_169 : i32
        %mul3A_171 = arith.constant 16 : i32
        %mul3A_172 = arith.muli %add3A_170, %mul3A_171 : i32
        %get3A_173 = arith.index_cast %mul3A_172 : i32 to index
        %get3A_174 = tpu.vector_load %arg6[%get3A_173] {strides = array<i32>} : memref<16384xi32, #tpu.memory_space<vmem>>, vector<16xi32>,
        %sub3A_175 = vector.broadcast %or3A_55 : i32 to vector<16xi32>
        %sub3A_176 = arith.subi %get3A_174, %sub3A_175 : vector<16xi32>
        %shift_right_logical3A_177 = arith.constant 15 : i32
        %shift_right_logical3A_178 = vector.broadcast %shift_right_logical3A_177 : i32 to vector<16xi32>
        %shift_right_logical3A_179 = arith.shrui %sub3A_176, %shift_right_logical3A_178 : vector<16xi32>
        %and3A_180 = arith.constant 65537 : i32
        %and3A_181 = vector.broadcast %and3A_180 : i32 to vector<16xi32>
        %and3A_182 = arith.andi %shift_right_logical3A_179, %and3A_181 : vector<16xi32>
        %add3A_183 = arith.addi %add3A_121, %and3A_182 : vector<16xi32>
        %add3A_184 = arith.constant 3 : i32
        %add3A_185 = arith.addi %mul3A_140, %add3A_184 : i32
        %mul3A_186 = arith.constant 16 : i32
        %mul3A_187 = arith.muli %add3A_185, %mul3A_186 : i32
        %get3A_188 = arith.index_cast %mul3A_187 : i32 to index
        %get3A_189 = tpu.vector_load %arg6[%get3A_188] {strides = array<i32>} : memref<16384xi32, #tpu.memory_space<vmem>>, vector<16xi32>,
        %sub3A_190 = vector.broadcast %or3A_55 : i32 to vector<16xi32>
        %sub3A_191 = arith.subi %get3A_189, %sub3A_190 : vector<16xi32>
        %shift_right_logical3A_192 = arith.constant 15 : i32
        %shift_right_logical3A_193 = vector.broadcast %shift_right_logical3A_192 : i32 to vector<16xi32>
        %shift_right_logical3A_194 = arith.shrui %sub3A_191, %shift_right_logical3A_193 : vector<16xi32>
        %and3A_195 = arith.constant 65537 : i32
        %and3A_196 = vector.broadcast %and3A_195 : i32 to vector<16xi32>
        %and3A_197 = arith.andi %shift_right_logical3A_194, %and3A_196 : vector<16xi32>
        %add3A_198 = arith.addi %add3A_136, %and3A_197 : vector<16xi32>
        %scan3A_199 = arith.constant 2 : i32
        %scan3A_200 = arith.addi %scan3A_73, %scan3A_199 : i32
        %mul3A_201 = arith.constant 4 : i32
        %mul3A_202 = arith.muli %scan3A_200, %mul3A_201 : i32
        %mul3A_203 = arith.constant 16 : i32
        %mul3A_204 = arith.muli %mul3A_202, %mul3A_203 : i32
        %get3A_205 = arith.index_cast %mul3A_204 : i32 to index
        %get3A_206 = tpu.vector_load %arg6[%get3A_205] {strides = array<i32>} : memref<16384xi32, #tpu.memory_space<vmem>>, vector<16xi32>,
        %sub3A_207 = vector.broadcast %or3A_55 : i32 to vector<16xi32>
        %sub3A_208 = arith.subi %get3A_206, %sub3A_207 : vector<16xi32>
        %shift_right_logical3A_209 = arith.constant 15 : i32
        %shift_right_logical3A_210 = vector.broadcast %shift_right_logical3A_209 : i32 to vector<16xi32>
        %shift_right_logical3A_211 = arith.shrui %sub3A_208, %shift_right_logical3A_210 : vector<16xi32>
        %and3A_212 = arith.constant 65537 : i32
        %and3A_213 = vector.broadcast %and3A_212 : i32 to vector<16xi32>
        %and3A_214 = arith.andi %shift_right_logical3A_211, %and3A_213 : vector<16xi32>
        %add3A_215 = arith.addi %add3A_153, %and3A_214 : vector<16xi32>
        %add3A_216 = arith.constant 1 : i32
        %add3A_217 = arith.addi %mul3A_202, %add3A_216 : i32
        %mul3A_218 = arith.constant 16 : i32
        %mul3A_219 = arith.muli %add3A_217, %mul3A_218 : i32
        %get3A_220 = arith.index_cast %mul3A_219 : i32 to index
        %get3A_221 = tpu.vector_load %arg6[%get3A_220] {strides = array<i32>} : memref<16384xi32, #tpu.memory_space<vmem>>, vector<16xi32>,
        %sub3A_222 = vector.broadcast %or3A_55 : i32 to vector<16xi32>
        %sub3A_223 = arith.subi %get3A_221, %sub3A_222 : vector<16xi32>
        %shift_right_logical3A_224 = arith.constant 15 : i32
        %shift_right_logical3A_225 = vector.broadcast %shift_right_logical3A_224 : i32 to vector<16xi32>
        %shift_right_logical3A_226 = arith.shrui %sub3A_223, %shift_right_logical3A_225 : vector<16xi32>
        %and3A_227 = arith.constant 65537 : i32
        %and3A_228 = vector.broadcast %and3A_227 : i32 to vector<16xi32>
        %and3A_229 = arith.andi %shift_right_logical3A_226, %and3A_228 : vector<16xi32>
        %add3A_230 = arith.addi %add3A_168, %and3A_229 : vector<16xi32>
        %add3A_231 = arith.constant 2 : i32
        %add3A_232 = arith.addi %mul3A_202, %add3A_231 : i32
        %mul3A_233 = arith.constant 16 : i32
        %mul3A_234 = arith.muli %add3A_232, %mul3A_233 : i32
        %get3A_235 = arith.index_cast %mul3A_234 : i32 to index
        %get3A_236 = tpu.vector_load %arg6[%get3A_235] {strides = array<i32>} : memref<16384xi32, #tpu.memory_space<vmem>>, vector<16xi32>,
        %sub3A_237 = vector.broadcast %or3A_55 : i32 to vector<16xi32>
        %sub3A_238 = arith.subi %get3A_236, %sub3A_237 : vector<16xi32>
        %shift_right_logical3A_239 = arith.constant 15 : i32
        %shift_right_logical3A_240 = vector.broadcast %shift_right_logical3A_239 : i32 to vector<16xi32>
        %shift_right_logical3A_241 = arith.shrui %sub3A_238, %shift_right_logical3A_240 : vector<16xi32>
        %and3A_242 = arith.constant 65537 : i32
        %and3A_243 = vector.broadcast %and3A_242 : i32 to vector<16xi32>
        %and3A_244 = arith.andi %shift_right_logical3A_241, %and3A_243 : vector<16xi32>
        %add3A_245 = arith.addi %add3A_183, %and3A_244 : vector<16xi32>
        %add3A_246 = arith.constant 3 : i32
        %add3A_247 = arith.addi %mul3A_202, %add3A_246 : i32
        %mul3A_248 = arith.constant 16 : i32
        %mul3A_249 = arith.muli %add3A_247, %mul3A_248 : i32
        %get3A_250 = arith.index_cast %mul3A_249 : i32 to index
        %get3A_251 = tpu.vector_load %arg6[%get3A_250] {strides = array<i32>} : memref<16384xi32, #tpu.memory_space<vmem>>, vector<16xi32>,
        %sub3A_252 = vector.broadcast %or3A_55 : i32 to vector<16xi32>
        %sub3A_253 = arith.subi %get3A_251, %sub3A_252 : vector<16xi32>
        %shift_right_logical3A_254 = arith.constant 15 : i32
        %shift_right_logical3A_255 = vector.broadcast %shift_right_logical3A_254 : i32 to vector<16xi32>
        %shift_right_logical3A_256 = arith.shrui %sub3A_253, %shift_right_logical3A_255 : vector<16xi32>
        %and3A_257 = arith.constant 65537 : i32
        %and3A_258 = vector.broadcast %and3A_257 : i32 to vector<16xi32>
        %and3A_259 = arith.andi %shift_right_logical3A_256, %and3A_258 : vector<16xi32>
        %add3A_260 = arith.addi %add3A_198, %and3A_259 : vector<16xi32>
        %scan3A_261 = arith.constant 3 : i32
        %scan3A_262 = arith.addi %scan3A_73, %scan3A_261 : i32
        %mul3A_263 = arith.constant 4 : i32
        %mul3A_264 = arith.muli %scan3A_262, %mul3A_263 : i32
        %mul3A_265 = arith.constant 16 : i32
        %mul3A_266 = arith.muli %mul3A_264, %mul3A_265 : i32
        %get3A_267 = arith.index_cast %mul3A_266 : i32 to index
        %get3A_268 = tpu.vector_load %arg6[%get3A_267] {strides = array<i32>} : memref<16384xi32, #tpu.memory_space<vmem>>, vector<16xi32>,
        %sub3A_269 = vector.broadcast %or3A_55 : i32 to vector<16xi32>
        %sub3A_270 = arith.subi %get3A_268, %sub3A_269 : vector<16xi32>
        %shift_right_logical3A_271 = arith.constant 15 : i32
        %shift_right_logical3A_272 = vector.broadcast %shift_right_logical3A_271 : i32 to vector<16xi32>
        %shift_right_logical3A_273 = arith.shrui %sub3A_270, %shift_right_logical3A_272 : vector<16xi32>
        %and3A_274 = arith.constant 65537 : i32
        %and3A_275 = vector.broadcast %and3A_274 : i32 to vector<16xi32>
        %and3A_276 = arith.andi %shift_right_logical3A_273, %and3A_275 : vector<16xi32>
        %add3A_277 = arith.addi %add3A_215, %and3A_276 : vector<16xi32>
        %add3A_278 = arith.constant 1 : i32
        %add3A_279 = arith.addi %mul3A_264, %add3A_278 : i32
        %mul3A_280 = arith.constant 16 : i32
        %mul3A_281 = arith.muli %add3A_279, %mul3A_280 : i32
        %get3A_282 = arith.index_cast %mul3A_281 : i32 to index
        %get3A_283 = tpu.vector_load %arg6[%get3A_282] {strides = array<i32>} : memref<16384xi32, #tpu.memory_space<vmem>>, vector<16xi32>,
        %sub3A_284 = vector.broadcast %or3A_55 : i32 to vector<16xi32>
        %sub3A_285 = arith.subi %get3A_283, %sub3A_284 : vector<16xi32>
        %shift_right_logical3A_286 = arith.constant 15 : i32
        %shift_right_logical3A_287 = vector.broadcast %shift_right_logical3A_286 : i32 to vector<16xi32>
        %shift_right_logical3A_288 = arith.shrui %sub3A_285, %shift_right_logical3A_287 : vector<16xi32>
        %and3A_289 = arith.constant 65537 : i32
        %and3A_290 = vector.broadcast %and3A_289 : i32 to vector<16xi32>
        %and3A_291 = arith.andi %shift_right_logical3A_288, %and3A_290 : vector<16xi32>
        %add3A_292 = arith.addi %add3A_230, %and3A_291 : vector<16xi32>
        %add3A_293 = arith.constant 2 : i32
        %add3A_294 = arith.addi %mul3A_264, %add3A_293 : i32
        %mul3A_295 = arith.constant 16 : i32
        %mul3A_296 = arith.muli %add3A_294, %mul3A_295 : i32
        %get3A_297 = arith.index_cast %mul3A_296 : i32 to index
        %get3A_298 = tpu.vector_load %arg6[%get3A_297] {strides = array<i32>} : memref<16384xi32, #tpu.memory_space<vmem>>, vector<16xi32>,
        %sub3A_299 = vector.broadcast %or3A_55 : i32 to vector<16xi32>
        %sub3A_300 = arith.subi %get3A_298, %sub3A_299 : vector<16xi32>
        %shift_right_logical3A_301 = arith.constant 15 : i32
        %shift_right_logical3A_302 = vector.broadcast %shift_right_logical3A_301 : i32 to vector<16xi32>
        %shift_right_logical3A_303 = arith.shrui %sub3A_300, %shift_right_logical3A_302 : vector<16xi32>
        %and3A_304 = arith.constant 65537 : i32
        %and3A_305 = vector.broadcast %and3A_304 : i32 to vector<16xi32>
        %and3A_306 = arith.andi %shift_right_logical3A_303, %and3A_305 : vector<16xi32>
        %add3A_307 = arith.addi %add3A_245, %and3A_306 : vector<16xi32>
        %add3A_308 = arith.constant 3 : i32
        %add3A_309 = arith.addi %mul3A_264, %add3A_308 : i32
        %mul3A_310 = arith.constant 16 : i32
        %mul3A_311 = arith.muli %add3A_309, %mul3A_310 : i32
        %get3A_312 = arith.index_cast %mul3A_311 : i32 to index
        %get3A_313 = tpu.vector_load %arg6[%get3A_312] {strides = array<i32>} : memref<16384xi32, #tpu.memory_space<vmem>>, vector<16xi32>,
        %sub3A_314 = vector.broadcast %or3A_55 : i32 to vector<16xi32>
        %sub3A_315 = arith.subi %get3A_313, %sub3A_314 : vector<16xi32>
        %shift_right_logical3A_316 = arith.constant 15 : i32
        %shift_right_logical3A_317 = vector.broadcast %shift_right_logical3A_316 : i32 to vector<16xi32>
        %shift_right_logical3A_318 = arith.shrui %sub3A_315, %shift_right_logical3A_317 : vector<16xi32>
        %and3A_319 = arith.constant 65537 : i32
        %and3A_320 = vector.broadcast %and3A_319 : i32 to vector<16xi32>
        %and3A_321 = arith.andi %shift_right_logical3A_318, %and3A_320 : vector<16xi32>
        %add3A_322 = arith.addi %add3A_260, %and3A_321 : vector<16xi32>
        scf.yield %add3A_277, %add3A_292, %add3A_307, %add3A_322 : vector<16xi32>, vector<16xi32>, vector<16xi32>, vector<16xi32>
      }
      %scan3A_62 = arith.constant 256 : i32
      %add3A_63 = arith.addi %scan3A_61#0, %scan3A_61#1 : vector<16xi32>
      %add3A_64 = arith.addi %scan3A_61#2, %scan3A_61#3 : vector<16xi32>
      %add3A_65 = arith.addi %add3A_63, %add3A_64 : vector<16xi32>
      %reduce_sum3A = arith.constant true
      %reduce_sum3A_66 = vector.broadcast %reduce_sum3A : i1 to vector<16xi1>
      %reduce_sum3A_67 = tpu.scan <sum>, %add3A_65 masked %reduce_sum3A_66 : vector<16xi32>, vector<16xi1> -> vector<16xi32>
      %reduce_sum3A_68 = vector.extract %reduce_sum3A_67[15] : i32 from vector<16xi32>
      %and3A_69 = arith.constant 65535 : i32
      %and3A_70 = arith.andi %reduce_sum3A_68, %and3A_69 : i32
      %shift_right_logical3A = arith.constant 16 : i32
      %shift_right_logical3A_71 = arith.shrui %reduce_sum3A_68, %shift_right_logical3A : i32
      %add3A_72 = arith.addi %and3A_70, %shift_right_logical3A_71 : i32
      %ge3A = arith.cmpi sge, %add3A_72, %scan3A_12 : i32
      %select_n3A = arith.select %ge3A, %or3A_52, %scan3A_48 : i32
      scf.yield %select_n3A : i32
    }
    %scan3A_19 = arith.constant 15 : i32
    %shift_left3A = arith.constant 15 : i32
    %shift_left3A_20 = arith.shli %scan3A_18, %shift_left3A : i32
    %scan3A_21 = arith.constant 0 : i32
    %scan3A_22 = arith.constant 1024 : i32
    %scan3A_23 = arith.addi %scan3A_21, %scan3A_22 : i32
    %scan3A_24 = arith.constant 1 : i32
    scf.for %scan3A_47 = %scan3A_21 to %scan3A_23 step %scan3A_24  : i32 {
      %mul3A_48 = arith.constant 1 : i32
      %mul3A_49 = arith.muli %scan3A_47, %mul3A_48 : i32
      %add3A_50 = arith.constant 0 : i32
      %add3A_51 = arith.addi %add3A_50, %mul3A_49 : i32
      %mul3A_52 = arith.constant 16 : i32
      %mul3A_53 = arith.muli %add3A_51, %mul3A_52 : i32
      %get3A = arith.index_cast %mul3A_53 : i32 to index
      %get3A_54 = tpu.vector_load %arg5[%get3A] {strides = array<i32>} : memref<32768xi32, #tpu.memory_space<vmem>>, vector<16xi32>,
      %shift_right_logical3A = arith.constant 2 : i32
      %shift_right_logical3A_55 = vector.broadcast %shift_right_logical3A : i32 to vector<16xi32>
      %shift_right_logical3A_56 = arith.shrui %get3A_54, %shift_right_logical3A_55 : vector<16xi32>
      %sub3A = vector.broadcast %shift_left3A_20 : i32 to vector<16xi32>
      %sub3A_57 = arith.subi %shift_right_logical3A_56, %sub3A : vector<16xi32>
      %jit3A = arith.constant 0 : i32
      %jit3A_58 = arith.constant 32767 : i32
      %max3A = vector.broadcast %jit3A : i32 to vector<16xi32>
      %max3A_59 = arith.maxsi %max3A, %sub3A_57 : vector<16xi32>
      %min3A = vector.broadcast %jit3A_58 : i32 to vector<16xi32>
      %min3A_60 = arith.minsi %min3A, %max3A_59 : vector<16xi32>
      %add3A_61 = arith.constant 16384 : i32
      %add3A_62 = arith.addi %add3A_61, %mul3A_53 : i32
      %get3A_63 = arith.index_cast %add3A_62 : i32 to index
      %get3A_64 = tpu.vector_load %arg5[%get3A_63] {strides = array<i32>} : memref<32768xi32, #tpu.memory_space<vmem>>, vector<16xi32>,
      %shift_right_logical3A_65 = arith.constant 2 : i32
      %shift_right_logical3A_66 = vector.broadcast %shift_right_logical3A_65 : i32 to vector<16xi32>
      %shift_right_logical3A_67 = arith.shrui %get3A_64, %shift_right_logical3A_66 : vector<16xi32>
      %sub3A_68 = vector.broadcast %shift_left3A_20 : i32 to vector<16xi32>
      %sub3A_69 = arith.subi %shift_right_logical3A_67, %sub3A_68 : vector<16xi32>
      %jit3A_70 = arith.constant 0 : i32
      %jit3A_71 = arith.constant 32767 : i32
      %max3A_72 = vector.broadcast %jit3A_70 : i32 to vector<16xi32>
      %max3A_73 = arith.maxsi %max3A_72, %sub3A_69 : vector<16xi32>
      %min3A_74 = vector.broadcast %jit3A_71 : i32 to vector<16xi32>
      %min3A_75 = arith.minsi %min3A_74, %max3A_73 : vector<16xi32>
      %shift_left3A_76 = arith.constant 16 : i32
      %shift_left3A_77 = vector.broadcast %shift_left3A_76 : i32 to vector<16xi32>
      %shift_left3A_78 = arith.shli %min3A_75, %shift_left3A_77 : vector<16xi32>
      %or3A_79 = arith.ori %min3A_60, %shift_left3A_78 : vector<16xi32>
      %or3A_80 = arith.constant -2147450880 : i32
      %or3A_81 = vector.broadcast %or3A_80 : i32 to vector<16xi32>
      %or3A_82 = arith.ori %or3A_79, %or3A_81 : vector<16xi32>
      %swap3A = arith.index_cast %mul3A_53 : i32 to index
      %swap3A_83 = tpu.vector_load %arg6[%swap3A] {strides = array<i32>} : memref<16384xi32, #tpu.memory_space<vmem>>, vector<16xi32>,
      tpu.vector_store %arg6[%swap3A], %or3A_82 {strides = array<i32>} : memref<16384xi32, #tpu.memory_space<vmem>>, vector<16xi32>,
    }
    %scan3A_25 = arith.constant 1024 : i32
    %scan3A_26 = arith.constant 8192 : i32
    %scan3A_27 = arith.constant 0 : i32
    %scan3A_28 = arith.constant 0 : i32
    %scan3A_29 = arith.constant 6 : i32
    %scan3A_30 = arith.addi %scan3A_28, %scan3A_29 : i32
    %scan3A_31 = arith.constant 1 : i32
    %scan3A_32 = scf.for %scan3A_47 = %scan3A_28 to %scan3A_30 step %scan3A_31 iter_args(%scan3A_48 = %scan3A_27) -> (i32)  : i32 {
      %sub3A = arith.constant 14 : i32
      %sub3A_49 = arith.subi %sub3A, %scan3A_47 : i32
      %shift_left3A_50 = arith.constant 1 : i32
      %shift_left3A_51 = arith.shli %shift_left3A_50, %sub3A_49 : i32
      %or3A_52 = arith.ori %scan3A_48, %shift_left3A_51 : i32
      %shift_left3A_53 = arith.constant 16 : i32
      %shift_left3A_54 = arith.shli %or3A_52, %shift_left3A_53 : i32
      %or3A_55 = arith.ori %or3A_52, %shift_left3A_54 : i32
      %broadcast_in_dim3A = arith.constant 0 : i32
      %broadcast_in_dim3A_56 = vector.broadcast %broadcast_in_dim3A : i32 to vector<16xi32>
      %scan3A_57 = arith.constant 0 : i32
      %scan3A_58 = arith.constant 256 : i32
      %scan3A_59 = arith.addi %scan3A_57, %scan3A_58 : i32
      %scan3A_60 = arith.constant 4 : i32
      %scan3A_61:4 = scf.for %scan3A_73 = %scan3A_57 to %scan3A_59 step %scan3A_60 iter_args(%scan3A_74 = %broadcast_in_dim3A_56, %scan3A_75 = %broadcast_in_dim3A_56, %scan3A_76 = %broadcast_in_dim3A_56, %scan3A_77 = %broadcast_in_dim3A_56) -> (vector<16xi32>, vector<16xi32>, vector<16xi32>, vector<16xi32>)  : i32 {
        %mul3A_78 = arith.constant 4 : i32
        %mul3A_79 = arith.muli %scan3A_73, %mul3A_78 : i32
        %mul3A_80 = arith.constant 16 : i32
        %mul3A_81 = arith.muli %mul3A_79, %mul3A_80 : i32
        %get3A = arith.index_cast %mul3A_81 : i32 to index
        %get3A_82 = tpu.vector_load %arg6[%get3A] {strides = array<i32>} : memref<16384xi32, #tpu.memory_space<vmem>>, vector<16xi32>,
        %sub3A_83 = vector.broadcast %or3A_55 : i32 to vector<16xi32>
        %sub3A_84 = arith.subi %get3A_82, %sub3A_83 : vector<16xi32>
        %shift_right_logical3A_85 = arith.constant 15 : i32
        %shift_right_logical3A_86 = vector.broadcast %shift_right_logical3A_85 : i32 to vector<16xi32>
        %shift_right_logical3A_87 = arith.shrui %sub3A_84, %shift_right_logical3A_86 : vector<16xi32>
        %and3A_88 = arith.constant 65537 : i32
        %and3A_89 = vector.broadcast %and3A_88 : i32 to vector<16xi32>
        %and3A_90 = arith.andi %shift_right_logical3A_87, %and3A_89 : vector<16xi32>
        %add3A_91 = arith.addi %scan3A_74, %and3A_90 : vector<16xi32>
        %add3A_92 = arith.constant 1 : i32
        %add3A_93 = arith.addi %mul3A_79, %add3A_92 : i32
        %mul3A_94 = arith.constant 16 : i32
        %mul3A_95 = arith.muli %add3A_93, %mul3A_94 : i32
        %get3A_96 = arith.index_cast %mul3A_95 : i32 to index
        %get3A_97 = tpu.vector_load %arg6[%get3A_96] {strides = array<i32>} : memref<16384xi32, #tpu.memory_space<vmem>>, vector<16xi32>,
        %sub3A_98 = vector.broadcast %or3A_55 : i32 to vector<16xi32>
        %sub3A_99 = arith.subi %get3A_97, %sub3A_98 : vector<16xi32>
        %shift_right_logical3A_100 = arith.constant 15 : i32
        %shift_right_logical3A_101 = vector.broadcast %shift_right_logical3A_100 : i32 to vector<16xi32>
        %shift_right_logical3A_102 = arith.shrui %sub3A_99, %shift_right_logical3A_101 : vector<16xi32>
        %and3A_103 = arith.constant 65537 : i32
        %and3A_104 = vector.broadcast %and3A_103 : i32 to vector<16xi32>
        %and3A_105 = arith.andi %shift_right_logical3A_102, %and3A_104 : vector<16xi32>
        %add3A_106 = arith.addi %scan3A_75, %and3A_105 : vector<16xi32>
        %add3A_107 = arith.constant 2 : i32
        %add3A_108 = arith.addi %mul3A_79, %add3A_107 : i32
        %mul3A_109 = arith.constant 16 : i32
        %mul3A_110 = arith.muli %add3A_108, %mul3A_109 : i32
        %get3A_111 = arith.index_cast %mul3A_110 : i32 to index
        %get3A_112 = tpu.vector_load %arg6[%get3A_111] {strides = array<i32>} : memref<16384xi32, #tpu.memory_space<vmem>>, vector<16xi32>,
        %sub3A_113 = vector.broadcast %or3A_55 : i32 to vector<16xi32>
        %sub3A_114 = arith.subi %get3A_112, %sub3A_113 : vector<16xi32>
        %shift_right_logical3A_115 = arith.constant 15 : i32
        %shift_right_logical3A_116 = vector.broadcast %shift_right_logical3A_115 : i32 to vector<16xi32>
        %shift_right_logical3A_117 = arith.shrui %sub3A_114, %shift_right_logical3A_116 : vector<16xi32>
        %and3A_118 = arith.constant 65537 : i32
        %and3A_119 = vector.broadcast %and3A_118 : i32 to vector<16xi32>
        %and3A_120 = arith.andi %shift_right_logical3A_117, %and3A_119 : vector<16xi32>
        %add3A_121 = arith.addi %scan3A_76, %and3A_120 : vector<16xi32>
        %add3A_122 = arith.constant 3 : i32
        %add3A_123 = arith.addi %mul3A_79, %add3A_122 : i32
        %mul3A_124 = arith.constant 16 : i32
        %mul3A_125 = arith.muli %add3A_123, %mul3A_124 : i32
        %get3A_126 = arith.index_cast %mul3A_125 : i32 to index
        %get3A_127 = tpu.vector_load %arg6[%get3A_126] {strides = array<i32>} : memref<16384xi32, #tpu.memory_space<vmem>>, vector<16xi32>,
        %sub3A_128 = vector.broadcast %or3A_55 : i32 to vector<16xi32>
        %sub3A_129 = arith.subi %get3A_127, %sub3A_128 : vector<16xi32>
        %shift_right_logical3A_130 = arith.constant 15 : i32
        %shift_right_logical3A_131 = vector.broadcast %shift_right_logical3A_130 : i32 to vector<16xi32>
        %shift_right_logical3A_132 = arith.shrui %sub3A_129, %shift_right_logical3A_131 : vector<16xi32>
        %and3A_133 = arith.constant 65537 : i32
        %and3A_134 = vector.broadcast %and3A_133 : i32 to vector<16xi32>
        %and3A_135 = arith.andi %shift_right_logical3A_132, %and3A_134 : vector<16xi32>
        %add3A_136 = arith.addi %scan3A_77, %and3A_135 : vector<16xi32>
        %scan3A_137 = arith.constant 1 : i32
        %scan3A_138 = arith.addi %scan3A_73, %scan3A_137 : i32
        %mul3A_139 = arith.constant 4 : i32
        %mul3A_140 = arith.muli %scan3A_138, %mul3A_139 : i32
        %mul3A_141 = arith.constant 16 : i32
        %mul3A_142 = arith.muli %mul3A_140, %mul3A_141 : i32
        %get3A_143 = arith.index_cast %mul3A_142 : i32 to index
        %get3A_144 = tpu.vector_load %arg6[%get3A_143] {strides = array<i32>} : memref<16384xi32, #tpu.memory_space<vmem>>, vector<16xi32>,
        %sub3A_145 = vector.broadcast %or3A_55 : i32 to vector<16xi32>
        %sub3A_146 = arith.subi %get3A_144, %sub3A_145 : vector<16xi32>
        %shift_right_logical3A_147 = arith.constant 15 : i32
        %shift_right_logical3A_148 = vector.broadcast %shift_right_logical3A_147 : i32 to vector<16xi32>
        %shift_right_logical3A_149 = arith.shrui %sub3A_146, %shift_right_logical3A_148 : vector<16xi32>
        %and3A_150 = arith.constant 65537 : i32
        %and3A_151 = vector.broadcast %and3A_150 : i32 to vector<16xi32>
        %and3A_152 = arith.andi %shift_right_logical3A_149, %and3A_151 : vector<16xi32>
        %add3A_153 = arith.addi %add3A_91, %and3A_152 : vector<16xi32>
        %add3A_154 = arith.constant 1 : i32
        %add3A_155 = arith.addi %mul3A_140, %add3A_154 : i32
        %mul3A_156 = arith.constant 16 : i32
        %mul3A_157 = arith.muli %add3A_155, %mul3A_156 : i32
        %get3A_158 = arith.index_cast %mul3A_157 : i32 to index
        %get3A_159 = tpu.vector_load %arg6[%get3A_158] {strides = array<i32>} : memref<16384xi32, #tpu.memory_space<vmem>>, vector<16xi32>,
        %sub3A_160 = vector.broadcast %or3A_55 : i32 to vector<16xi32>
        %sub3A_161 = arith.subi %get3A_159, %sub3A_160 : vector<16xi32>
        %shift_right_logical3A_162 = arith.constant 15 : i32
        %shift_right_logical3A_163 = vector.broadcast %shift_right_logical3A_162 : i32 to vector<16xi32>
        %shift_right_logical3A_164 = arith.shrui %sub3A_161, %shift_right_logical3A_163 : vector<16xi32>
        %and3A_165 = arith.constant 65537 : i32
        %and3A_166 = vector.broadcast %and3A_165 : i32 to vector<16xi32>
        %and3A_167 = arith.andi %shift_right_logical3A_164, %and3A_166 : vector<16xi32>
        %add3A_168 = arith.addi %add3A_106, %and3A_167 : vector<16xi32>
        %add3A_169 = arith.constant 2 : i32
        %add3A_170 = arith.addi %mul3A_140, %add3A_169 : i32
        %mul3A_171 = arith.constant 16 : i32
        %mul3A_172 = arith.muli %add3A_170, %mul3A_171 : i32
        %get3A_173 = arith.index_cast %mul3A_172 : i32 to index
        %get3A_174 = tpu.vector_load %arg6[%get3A_173] {strides = array<i32>} : memref<16384xi32, #tpu.memory_space<vmem>>, vector<16xi32>,
        %sub3A_175 = vector.broadcast %or3A_55 : i32 to vector<16xi32>
        %sub3A_176 = arith.subi %get3A_174, %sub3A_175 : vector<16xi32>
        %shift_right_logical3A_177 = arith.constant 15 : i32
        %shift_right_logical3A_178 = vector.broadcast %shift_right_logical3A_177 : i32 to vector<16xi32>
        %shift_right_logical3A_179 = arith.shrui %sub3A_176, %shift_right_logical3A_178 : vector<16xi32>
        %and3A_180 = arith.constant 65537 : i32
        %and3A_181 = vector.broadcast %and3A_180 : i32 to vector<16xi32>
        %and3A_182 = arith.andi %shift_right_logical3A_179, %and3A_181 : vector<16xi32>
        %add3A_183 = arith.addi %add3A_121, %and3A_182 : vector<16xi32>
        %add3A_184 = arith.constant 3 : i32
        %add3A_185 = arith.addi %mul3A_140, %add3A_184 : i32
        %mul3A_186 = arith.constant 16 : i32
        %mul3A_187 = arith.muli %add3A_185, %mul3A_186 : i32
        %get3A_188 = arith.index_cast %mul3A_187 : i32 to index
        %get3A_189 = tpu.vector_load %arg6[%get3A_188] {strides = array<i32>} : memref<16384xi32, #tpu.memory_space<vmem>>, vector<16xi32>,
        %sub3A_190 = vector.broadcast %or3A_55 : i32 to vector<16xi32>
        %sub3A_191 = arith.subi %get3A_189, %sub3A_190 : vector<16xi32>
        %shift_right_logical3A_192 = arith.constant 15 : i32
        %shift_right_logical3A_193 = vector.broadcast %shift_right_logical3A_192 : i32 to vector<16xi32>
        %shift_right_logical3A_194 = arith.shrui %sub3A_191, %shift_right_logical3A_193 : vector<16xi32>
        %and3A_195 = arith.constant 65537 : i32
        %and3A_196 = vector.broadcast %and3A_195 : i32 to vector<16xi32>
        %and3A_197 = arith.andi %shift_right_logical3A_194, %and3A_196 : vector<16xi32>
        %add3A_198 = arith.addi %add3A_136, %and3A_197 : vector<16xi32>
        %scan3A_199 = arith.constant 2 : i32
        %scan3A_200 = arith.addi %scan3A_73, %scan3A_199 : i32
        %mul3A_201 = arith.constant 4 : i32
        %mul3A_202 = arith.muli %scan3A_200, %mul3A_201 : i32
        %mul3A_203 = arith.constant 16 : i32
        %mul3A_204 = arith.muli %mul3A_202, %mul3A_203 : i32
        %get3A_205 = arith.index_cast %mul3A_204 : i32 to index
        %get3A_206 = tpu.vector_load %arg6[%get3A_205] {strides = array<i32>} : memref<16384xi32, #tpu.memory_space<vmem>>, vector<16xi32>,
        %sub3A_207 = vector.broadcast %or3A_55 : i32 to vector<16xi32>
        %sub3A_208 = arith.subi %get3A_206, %sub3A_207 : vector<16xi32>
        %shift_right_logical3A_209 = arith.constant 15 : i32
        %shift_right_logical3A_210 = vector.broadcast %shift_right_logical3A_209 : i32 to vector<16xi32>
        %shift_right_logical3A_211 = arith.shrui %sub3A_208, %shift_right_logical3A_210 : vector<16xi32>
        %and3A_212 = arith.constant 65537 : i32
        %and3A_213 = vector.broadcast %and3A_212 : i32 to vector<16xi32>
        %and3A_214 = arith.andi %shift_right_logical3A_211, %and3A_213 : vector<16xi32>
        %add3A_215 = arith.addi %add3A_153, %and3A_214 : vector<16xi32>
        %add3A_216 = arith.constant 1 : i32
        %add3A_217 = arith.addi %mul3A_202, %add3A_216 : i32
        %mul3A_218 = arith.constant 16 : i32
        %mul3A_219 = arith.muli %add3A_217, %mul3A_218 : i32
        %get3A_220 = arith.index_cast %mul3A_219 : i32 to index
        %get3A_221 = tpu.vector_load %arg6[%get3A_220] {strides = array<i32>} : memref<16384xi32, #tpu.memory_space<vmem>>, vector<16xi32>,
        %sub3A_222 = vector.broadcast %or3A_55 : i32 to vector<16xi32>
        %sub3A_223 = arith.subi %get3A_221, %sub3A_222 : vector<16xi32>
        %shift_right_logical3A_224 = arith.constant 15 : i32
        %shift_right_logical3A_225 = vector.broadcast %shift_right_logical3A_224 : i32 to vector<16xi32>
        %shift_right_logical3A_226 = arith.shrui %sub3A_223, %shift_right_logical3A_225 : vector<16xi32>
        %and3A_227 = arith.constant 65537 : i32
        %and3A_228 = vector.broadcast %and3A_227 : i32 to vector<16xi32>
        %and3A_229 = arith.andi %shift_right_logical3A_226, %and3A_228 : vector<16xi32>
        %add3A_230 = arith.addi %add3A_168, %and3A_229 : vector<16xi32>
        %add3A_231 = arith.constant 2 : i32
        %add3A_232 = arith.addi %mul3A_202, %add3A_231 : i32
        %mul3A_233 = arith.constant 16 : i32
        %mul3A_234 = arith.muli %add3A_232, %mul3A_233 : i32
        %get3A_235 = arith.index_cast %mul3A_234 : i32 to index
        %get3A_236 = tpu.vector_load %arg6[%get3A_235] {strides = array<i32>} : memref<16384xi32, #tpu.memory_space<vmem>>, vector<16xi32>,
        %sub3A_237 = vector.broadcast %or3A_55 : i32 to vector<16xi32>
        %sub3A_238 = arith.subi %get3A_236, %sub3A_237 : vector<16xi32>
        %shift_right_logical3A_239 = arith.constant 15 : i32
        %shift_right_logical3A_240 = vector.broadcast %shift_right_logical3A_239 : i32 to vector<16xi32>
        %shift_right_logical3A_241 = arith.shrui %sub3A_238, %shift_right_logical3A_240 : vector<16xi32>
        %and3A_242 = arith.constant 65537 : i32
        %and3A_243 = vector.broadcast %and3A_242 : i32 to vector<16xi32>
        %and3A_244 = arith.andi %shift_right_logical3A_241, %and3A_243 : vector<16xi32>
        %add3A_245 = arith.addi %add3A_183, %and3A_244 : vector<16xi32>
        %add3A_246 = arith.constant 3 : i32
        %add3A_247 = arith.addi %mul3A_202, %add3A_246 : i32
        %mul3A_248 = arith.constant 16 : i32
        %mul3A_249 = arith.muli %add3A_247, %mul3A_248 : i32
        %get3A_250 = arith.index_cast %mul3A_249 : i32 to index
        %get3A_251 = tpu.vector_load %arg6[%get3A_250] {strides = array<i32>} : memref<16384xi32, #tpu.memory_space<vmem>>, vector<16xi32>,
        %sub3A_252 = vector.broadcast %or3A_55 : i32 to vector<16xi32>
        %sub3A_253 = arith.subi %get3A_251, %sub3A_252 : vector<16xi32>
        %shift_right_logical3A_254 = arith.constant 15 : i32
        %shift_right_logical3A_255 = vector.broadcast %shift_right_logical3A_254 : i32 to vector<16xi32>
        %shift_right_logical3A_256 = arith.shrui %sub3A_253, %shift_right_logical3A_255 : vector<16xi32>
        %and3A_257 = arith.constant 65537 : i32
        %and3A_258 = vector.broadcast %and3A_257 : i32 to vector<16xi32>
        %and3A_259 = arith.andi %shift_right_logical3A_256, %and3A_258 : vector<16xi32>
        %add3A_260 = arith.addi %add3A_198, %and3A_259 : vector<16xi32>
        %scan3A_261 = arith.constant 3 : i32
        %scan3A_262 = arith.addi %scan3A_73, %scan3A_261 : i32
        %mul3A_263 = arith.constant 4 : i32
        %mul3A_264 = arith.muli %scan3A_262, %mul3A_263 : i32
        %mul3A_265 = arith.constant 16 : i32
        %mul3A_266 = arith.muli %mul3A_264, %mul3A_265 : i32
        %get3A_267 = arith.index_cast %mul3A_266 : i32 to index
        %get3A_268 = tpu.vector_load %arg6[%get3A_267] {strides = array<i32>} : memref<16384xi32, #tpu.memory_space<vmem>>, vector<16xi32>,
        %sub3A_269 = vector.broadcast %or3A_55 : i32 to vector<16xi32>
        %sub3A_270 = arith.subi %get3A_268, %sub3A_269 : vector<16xi32>
        %shift_right_logical3A_271 = arith.constant 15 : i32
        %shift_right_logical3A_272 = vector.broadcast %shift_right_logical3A_271 : i32 to vector<16xi32>
        %shift_right_logical3A_273 = arith.shrui %sub3A_270, %shift_right_logical3A_272 : vector<16xi32>
        %and3A_274 = arith.constant 65537 : i32
        %and3A_275 = vector.broadcast %and3A_274 : i32 to vector<16xi32>
        %and3A_276 = arith.andi %shift_right_logical3A_273, %and3A_275 : vector<16xi32>
        %add3A_277 = arith.addi %add3A_215, %and3A_276 : vector<16xi32>
        %add3A_278 = arith.constant 1 : i32
        %add3A_279 = arith.addi %mul3A_264, %add3A_278 : i32
        %mul3A_280 = arith.constant 16 : i32
        %mul3A_281 = arith.muli %add3A_279, %mul3A_280 : i32
        %get3A_282 = arith.index_cast %mul3A_281 : i32 to index
        %get3A_283 = tpu.vector_load %arg6[%get3A_282] {strides = array<i32>} : memref<16384xi32, #tpu.memory_space<vmem>>, vector<16xi32>,
        %sub3A_284 = vector.broadcast %or3A_55 : i32 to vector<16xi32>
        %sub3A_285 = arith.subi %get3A_283, %sub3A_284 : vector<16xi32>
        %shift_right_logical3A_286 = arith.constant 15 : i32
        %shift_right_logical3A_287 = vector.broadcast %shift_right_logical3A_286 : i32 to vector<16xi32>
        %shift_right_logical3A_288 = arith.shrui %sub3A_285, %shift_right_logical3A_287 : vector<16xi32>
        %and3A_289 = arith.constant 65537 : i32
        %and3A_290 = vector.broadcast %and3A_289 : i32 to vector<16xi32>
        %and3A_291 = arith.andi %shift_right_logical3A_288, %and3A_290 : vector<16xi32>
        %add3A_292 = arith.addi %add3A_230, %and3A_291 : vector<16xi32>
        %add3A_293 = arith.constant 2 : i32
        %add3A_294 = arith.addi %mul3A_264, %add3A_293 : i32
        %mul3A_295 = arith.constant 16 : i32
        %mul3A_296 = arith.muli %add3A_294, %mul3A_295 : i32
        %get3A_297 = arith.index_cast %mul3A_296 : i32 to index
        %get3A_298 = tpu.vector_load %arg6[%get3A_297] {strides = array<i32>} : memref<16384xi32, #tpu.memory_space<vmem>>, vector<16xi32>,
        %sub3A_299 = vector.broadcast %or3A_55 : i32 to vector<16xi32>
        %sub3A_300 = arith.subi %get3A_298, %sub3A_299 : vector<16xi32>
        %shift_right_logical3A_301 = arith.constant 15 : i32
        %shift_right_logical3A_302 = vector.broadcast %shift_right_logical3A_301 : i32 to vector<16xi32>
        %shift_right_logical3A_303 = arith.shrui %sub3A_300, %shift_right_logical3A_302 : vector<16xi32>
        %and3A_304 = arith.constant 65537 : i32
        %and3A_305 = vector.broadcast %and3A_304 : i32 to vector<16xi32>
        %and3A_306 = arith.andi %shift_right_logical3A_303, %and3A_305 : vector<16xi32>
        %add3A_307 = arith.addi %add3A_245, %and3A_306 : vector<16xi32>
        %add3A_308 = arith.constant 3 : i32
        %add3A_309 = arith.addi %mul3A_264, %add3A_308 : i32
        %mul3A_310 = arith.constant 16 : i32
        %mul3A_311 = arith.muli %add3A_309, %mul3A_310 : i32
        %get3A_312 = arith.index_cast %mul3A_311 : i32 to index
        %get3A_313 = tpu.vector_load %arg6[%get3A_312] {strides = array<i32>} : memref<16384xi32, #tpu.memory_space<vmem>>, vector<16xi32>,
        %sub3A_314 = vector.broadcast %or3A_55 : i32 to vector<16xi32>
        %sub3A_315 = arith.subi %get3A_313, %sub3A_314 : vector<16xi32>
        %shift_right_logical3A_316 = arith.constant 15 : i32
        %shift_right_logical3A_317 = vector.broadcast %shift_right_logical3A_316 : i32 to vector<16xi32>
        %shift_right_logical3A_318 = arith.shrui %sub3A_315, %shift_right_logical3A_317 : vector<16xi32>
        %and3A_319 = arith.constant 65537 : i32
        %and3A_320 = vector.broadcast %and3A_319 : i32 to vector<16xi32>
        %and3A_321 = arith.andi %shift_right_logical3A_318, %and3A_320 : vector<16xi32>
        %add3A_322 = arith.addi %add3A_260, %and3A_321 : vector<16xi32>
        scf.yield %add3A_277, %add3A_292, %add3A_307, %add3A_322 : vector<16xi32>, vector<16xi32>, vector<16xi32>, vector<16xi32>
      }
      %scan3A_62 = arith.constant 256 : i32
      %add3A_63 = arith.addi %scan3A_61#0, %scan3A_61#1 : vector<16xi32>
      %add3A_64 = arith.addi %scan3A_61#2, %scan3A_61#3 : vector<16xi32>
      %add3A_65 = arith.addi %add3A_63, %add3A_64 : vector<16xi32>
      %reduce_sum3A = arith.constant true
      %reduce_sum3A_66 = vector.broadcast %reduce_sum3A : i1 to vector<16xi1>
      %reduce_sum3A_67 = tpu.scan <sum>, %add3A_65 masked %reduce_sum3A_66 : vector<16xi32>, vector<16xi1> -> vector<16xi32>
      %reduce_sum3A_68 = vector.extract %reduce_sum3A_67[15] : i32 from vector<16xi32>
      %and3A_69 = arith.constant 65535 : i32
      %and3A_70 = arith.andi %reduce_sum3A_68, %and3A_69 : i32
      %shift_right_logical3A = arith.constant 16 : i32
      %shift_right_logical3A_71 = arith.shrui %reduce_sum3A_68, %shift_right_logical3A : i32
      %add3A_72 = arith.addi %and3A_70, %shift_right_logical3A_71 : i32
      %ge3A = arith.cmpi sge, %add3A_72, %scan3A_26 : i32
      %select_n3A = arith.select %ge3A, %or3A_52, %scan3A_48 : i32
      scf.yield %select_n3A : i32
    }
    %scan3A_33 = arith.constant 6 : i32
    %shift_left3A_34 = arith.constant 17 : i32
    %shift_left3A_35 = arith.shli %scan3A_18, %shift_left3A_34 : i32
    %shift_left3A_36 = arith.constant 2 : i32
    %shift_left3A_37 = arith.shli %scan3A_32, %shift_left3A_36 : i32
    %or3A = arith.ori %shift_left3A_35, %shift_left3A_37 : i32
    %xor3A = arith.constant -2147483648 : i32
    %xor3A_38 = arith.xori %or3A, %xor3A : i32
    %shift_right_arithmetic3A = arith.constant 31 : i32
    %shift_right_arithmetic3A_39 = arith.shrsi %xor3A_38, %shift_right_arithmetic3A : i32
    %and3A = arith.constant 2147483647 : i32
    %and3A_40 = arith.andi %shift_right_arithmetic3A_39, %and3A : i32
    %xor3A_41 = arith.xori %xor3A_38, %and3A_40 : i32
    %bitcast_convert_type3A = arith.bitcast %xor3A_41 : i32 to f32
    %scan3A_42 = arith.constant 0 : i32
    %scan3A_43 = arith.constant 2048 : i32
    %scan3A_44 = arith.addi %scan3A_42, %scan3A_43 : i32
    %scan3A_45 = arith.constant 1 : i32
    scf.for %scan3A_47 = %scan3A_42 to %scan3A_44 step %scan3A_45  : i32 {
      %mul3A_48 = arith.constant 1 : i32
      %mul3A_49 = arith.muli %scan3A_47, %mul3A_48 : i32
      %add3A_50 = arith.constant 0 : i32
      %add3A_51 = arith.addi %add3A_50, %mul3A_49 : i32
      %mul3A_52 = arith.constant 16 : i32
      %mul3A_53 = arith.muli %add3A_51, %mul3A_52 : i32
      %get3A = arith.index_cast %mul3A_53 : i32 to index
      %get3A_54 = tpu.vector_load %arg4[%get3A] {strides = array<i32>} : memref<32768xf32, #tpu.memory_space<vmem>>, vector<16xf32>,
      %ge3A = vector.broadcast %bitcast_convert_type3A : f32 to vector<16xf32>
      %ge3A_55 = arith.cmpf oge, %get3A_54, %ge3A : vector<16xf32>
      %mul3A_56 = arith.constant 2.000000e+00 : f32
      %mul3A_57 = vector.broadcast %mul3A_56 : f32 to vector<16xf32>
      %mul3A_58 = arith.mulf %get3A_54, %mul3A_57 : vector<16xf32>
      %jit3A = arith.constant 0.000000e+00 : f32
      %broadcast_in_dim3A = vector.broadcast %jit3A : f32 to vector<16xf32>
      %select_n3A = arith.select %ge3A_55, %mul3A_58, %broadcast_in_dim3A : vector<16xi1>, vector<16xf32>
      %swap3A = arith.index_cast %mul3A_53 : i32 to index
      %swap3A_59 = tpu.vector_load %arg4[%swap3A] {strides = array<i32>} : memref<32768xf32, #tpu.memory_space<vmem>>, vector<16xf32>,
      tpu.vector_store %arg4[%swap3A], %select_n3A {strides = array<i32>} : memref<32768xf32, #tpu.memory_space<vmem>>, vector<16xf32>,
    }
    %scan3A_46 = arith.constant 2048 : i32
    "tpu.region"() ({
      %run_scoped3A = tpu.sem_alloc : memref<!tpu.dma_semaphore, #tpu.memory_space<semaphore_mem>>
      %dma_start3A = arith.constant 0 : i32
      %dma_start3A_47 = tpu.memref_slice %arg3[%add3A_4, %dma_start3A] : memref<32x32768xf32, #tpu.memory_space<hbm>> -> memref<1x32768xf32, #tpu.memory_space<hbm>>
      %dma_start3A_48 = tpu.memref_squeeze %dma_start3A_47 : memref<1x32768xf32, #tpu.memory_space<hbm>> -> memref<32768xf32, #tpu.memory_space<hbm>>
      %dma_start3A_49 = arith.constant 0 : i32
      %dma_start3A_50 = tpu.memref_slice %arg3[%add3A_4, %dma_start3A_49] : memref<32x32768xf32, #tpu.memory_space<hbm>> -> memref<1x32768xf32, #tpu.memory_space<hbm>>
      %dma_start3A_51 = tpu.memref_squeeze %dma_start3A_50 : memref<1x32768xf32, #tpu.memory_space<hbm>> -> memref<32768xf32, #tpu.memory_space<hbm>>
      tpu.enqueue_dma source(%arg4 : memref<32768xf32, #tpu.memory_space<vmem>>) target(%dma_start3A_51 : memref<32768xf32, #tpu.memory_space<hbm>>) target_semaphore(%run_scoped3A : memref<!tpu.dma_semaphore, #tpu.memory_space<semaphore_mem>>)
      %dma_wait3A = arith.constant 0 : i32
      %dma_wait3A_52 = tpu.memref_slice %arg3[%add3A_4, %dma_wait3A] : memref<32x32768xf32, #tpu.memory_space<hbm>> -> memref<1x32768xf32, #tpu.memory_space<hbm>>
      %dma_wait3A_53 = tpu.memref_squeeze %dma_wait3A_52 : memref<1x32768xf32, #tpu.memory_space<hbm>> -> memref<32768xf32, #tpu.memory_space<hbm>>
      %dma_wait3A_54 = arith.constant 0 : i32
      %dma_wait3A_55 = tpu.memref_slice %arg3[%add3A_4, %dma_wait3A_54] : memref<32x32768xf32, #tpu.memory_space<hbm>> -> memref<1x32768xf32, #tpu.memory_space<hbm>>
      %dma_wait3A_56 = tpu.memref_squeeze %dma_wait3A_55 : memref<1x32768xf32, #tpu.memory_space<hbm>> -> memref<32768xf32, #tpu.memory_space<hbm>>
      tpu.wait_dma2 semaphore(%run_scoped3A : memref<!tpu.dma_semaphore, #tpu.memory_space<semaphore_mem>>) src(%arg4 : memref<32768xf32, #tpu.memory_space<vmem>>) dst(%dma_wait3A_56 : memref<32768xf32, #tpu.memory_space<hbm>>)
      tpu.yield
    }) : () -> ()
    return
  }
}

module attributes {stable_mosaic.version = 14 : i64} {
  func.func @_tc_kernel_body(%arg0: i32, %arg1: memref<32x32768xf32, #tpu.memory_space<vmem>>, %arg2: memref<32x32768xf32, #tpu.memory_space<vmem>>, %arg3: memref<32x32768xi32, #tpu.memory_space<vmem>>, %arg4: memref<32x16384xi32, #tpu.memory_space<vmem>>) attributes {dimension_semantics = [#tpu.dimension_semantics<arbitrary>], iteration_bounds = array<i64: 3>, scalar_prefetch = 0 : i64, scratch_operands = 2 : i64, tpu.core_type = #tpu.core_type<tc>, window_params = [{transform_indices = @transform_0, window_bounds = array<i64: 32, 32768>}, {transform_indices = @transform_1, window_bounds = array<i64: 32, 32768>}]} {
    %get3A = arith.constant 0 : index
    %get3A_0 = arith.constant 0 : index
    %get3A_1 = vector.load %arg1[%get3A, %get3A_0] : memref<32x32768xf32, #tpu.memory_space<vmem>>, vector<32x32768xf32>
    %bitcast_convert_type3A = tpu.bitcast %get3A_1 : vector<32x32768xf32> -> vector<32x32768xi32>
    %shift_right_arithmetic3A = arith.constant 31 : i32
    %shift_right_arithmetic3A_2 = vector.broadcast %shift_right_arithmetic3A : i32 to vector<32x32768xi32>
    %shift_right_arithmetic3A_3 = arith.shrsi %bitcast_convert_type3A, %shift_right_arithmetic3A_2 : vector<32x32768xi32>
    %or3A = arith.constant -2147483648 : i32
    %or3A_4 = vector.broadcast %or3A : i32 to vector<32x32768xi32>
    %or3A_5 = arith.ori %shift_right_arithmetic3A_3, %or3A_4 : vector<32x32768xi32>
    %xor3A = arith.xori %bitcast_convert_type3A, %or3A_5 : vector<32x32768xi32>
    %swap3A = arith.constant 0 : index
    %swap3A_6 = arith.constant 0 : index
    %swap3A_7 = vector.load %arg3[%swap3A, %swap3A_6] : memref<32x32768xi32, #tpu.memory_space<vmem>>, vector<32x32768xi32>
    tpu.vector_store %arg3[%swap3A, %swap3A_6], %xor3A {strides = array<i32>} : memref<32x32768xi32, #tpu.memory_space<vmem>>, vector<32x32768xi32>,
    %shift_right_logical3A = arith.constant 17 : i32
    %shift_right_logical3A_8 = vector.broadcast %shift_right_logical3A : i32 to vector<32x32768xi32>
    %shift_right_logical3A_9 = arith.shrui %xor3A, %shift_right_logical3A_8 : vector<32x32768xi32>
    %slice3A = vector.extract_strided_slice %shift_right_logical3A_9 {offsets = [0, 0], sizes = [32, 16384], strides = [1, 1]} : vector<32x32768xi32> to vector<32x16384xi32>
    %slice3A_10 = vector.extract_strided_slice %shift_right_logical3A_9 {offsets = [0, 16384], sizes = [32, 16384], strides = [1, 1]} : vector<32x32768xi32> to vector<32x16384xi32>
    %shift_left3A = arith.constant 16 : i32
    %shift_left3A_11 = vector.broadcast %shift_left3A : i32 to vector<32x16384xi32>
    %shift_left3A_12 = arith.shli %slice3A_10, %shift_left3A_11 : vector<32x16384xi32>
    %or3A_13 = arith.ori %slice3A, %shift_left3A_12 : vector<32x16384xi32>
    %or3A_14 = arith.constant -2147450880 : i32
    %or3A_15 = vector.broadcast %or3A_14 : i32 to vector<32x16384xi32>
    %or3A_16 = arith.ori %or3A_13, %or3A_15 : vector<32x16384xi32>
    %swap3A_17 = arith.constant 0 : index
    %swap3A_18 = arith.constant 0 : index
    %swap3A_19 = vector.load %arg4[%swap3A_17, %swap3A_18] : memref<32x16384xi32, #tpu.memory_space<vmem>>, vector<32x16384xi32>
    tpu.vector_store %arg4[%swap3A_17, %swap3A_18], %or3A_16 {strides = array<i32>} : memref<32x16384xi32, #tpu.memory_space<vmem>>, vector<32x16384xi32>,
    %broadcast_in_dim3A = arith.constant 0 : i32
    %broadcast_in_dim3A_20 = vector.broadcast %broadcast_in_dim3A : i32 to vector<32x1xi32>
    %scan3A = arith.constant 8192 : i32
    %scan3A_21 = arith.constant 0 : i32
    %scan3A_22 = arith.constant 15 : i32
    %scan3A_23 = arith.addi %scan3A_21, %scan3A_22 : i32
    %scan3A_24 = arith.constant 3 : i32
    %scan3A_25 = scf.for %scan3A_86 = %scan3A_21 to %scan3A_23 step %scan3A_24 iter_args(%scan3A_87 = %broadcast_in_dim3A_20) -> (vector<32x1xi32>)  : i32 {
      %sub3A_88 = arith.constant 14 : i32
      %sub3A_89 = arith.subi %sub3A_88, %scan3A_86 : i32
      %shift_left3A_90 = arith.constant 1 : i32
      %shift_left3A_91 = arith.shli %shift_left3A_90, %sub3A_89 : i32
      %or3A_92 = vector.broadcast %shift_left3A_91 : i32 to vector<32x1xi32>
      %or3A_93 = arith.ori %scan3A_87, %or3A_92 : vector<32x1xi32>
      %get3A_94 = arith.constant 0 : index
      %get3A_95 = arith.constant 0 : index
      %get3A_96 = vector.load %arg4[%get3A_94, %get3A_95] : memref<32x16384xi32, #tpu.memory_space<vmem>>, vector<32x16384xi32>
      %shift_left3A_97 = arith.constant 16 : i32
      %shift_left3A_98 = vector.broadcast %shift_left3A_97 : i32 to vector<32x1xi32>
      %shift_left3A_99 = arith.shli %or3A_93, %shift_left3A_98 : vector<32x1xi32>
      %or3A_100 = arith.ori %or3A_93, %shift_left3A_99 : vector<32x1xi32>
      %sub3A_101 = vector.broadcast %or3A_100 : vector<32x1xi32> to vector<32x16384xi32>
      %sub3A_102 = arith.subi %get3A_96, %sub3A_101 : vector<32x16384xi32>
      %shift_right_logical3A_103 = arith.constant 15 : i32
      %shift_right_logical3A_104 = vector.broadcast %shift_right_logical3A_103 : i32 to vector<32x16384xi32>
      %shift_right_logical3A_105 = arith.shrui %sub3A_102, %shift_right_logical3A_104 : vector<32x16384xi32>
      %and3A_106 = arith.constant 65537 : i32
      %and3A_107 = vector.broadcast %and3A_106 : i32 to vector<32x16384xi32>
      %and3A_108 = arith.andi %shift_right_logical3A_105, %and3A_107 : vector<32x16384xi32>
      %reduce_sum3A = arith.constant dense<0> : vector<32xi32>
      %reduce_sum3A_109 = vector.multi_reduction <add>, %and3A_108, %reduce_sum3A [1] : vector<32x16384xi32> to vector<32xi32>
      %broadcast_in_dim3A_110 = vector.shape_cast %reduce_sum3A_109 : vector<32xi32> to vector<32x1xi32>
      %and3A_111 = arith.constant 65535 : i32
      %and3A_112 = vector.broadcast %and3A_111 : i32 to vector<32x1xi32>
      %and3A_113 = arith.andi %broadcast_in_dim3A_110, %and3A_112 : vector<32x1xi32>
      %shift_right_logical3A_114 = arith.constant 16 : i32
      %shift_right_logical3A_115 = vector.broadcast %shift_right_logical3A_114 : i32 to vector<32x1xi32>
      %shift_right_logical3A_116 = arith.shrui %broadcast_in_dim3A_110, %shift_right_logical3A_115 : vector<32x1xi32>
      %add3A = arith.addi %and3A_113, %shift_right_logical3A_116 : vector<32x1xi32>
      %ge3A_117 = vector.broadcast %scan3A : i32 to vector<32x1xi32>
      %ge3A_118 = arith.cmpi sge, %add3A, %ge3A_117 : vector<32x1xi32>
      %select_n3A_119 = arith.select %ge3A_118, %or3A_93, %scan3A_87 : vector<32x1xi1>, vector<32x1xi32>
      %scan3A_120 = arith.constant 1 : i32
      %scan3A_121 = arith.addi %scan3A_86, %scan3A_120 : i32
      %sub3A_122 = arith.constant 14 : i32
      %sub3A_123 = arith.subi %sub3A_122, %scan3A_121 : i32
      %shift_left3A_124 = arith.constant 1 : i32
      %shift_left3A_125 = arith.shli %shift_left3A_124, %sub3A_123 : i32
      %or3A_126 = vector.broadcast %shift_left3A_125 : i32 to vector<32x1xi32>
      %or3A_127 = arith.ori %select_n3A_119, %or3A_126 : vector<32x1xi32>
      %get3A_128 = arith.constant 0 : index
      %get3A_129 = arith.constant 0 : index
      %get3A_130 = vector.load %arg4[%get3A_128, %get3A_129] : memref<32x16384xi32, #tpu.memory_space<vmem>>, vector<32x16384xi32>
      %shift_left3A_131 = arith.constant 16 : i32
      %shift_left3A_132 = vector.broadcast %shift_left3A_131 : i32 to vector<32x1xi32>
      %shift_left3A_133 = arith.shli %or3A_127, %shift_left3A_132 : vector<32x1xi32>
      %or3A_134 = arith.ori %or3A_127, %shift_left3A_133 : vector<32x1xi32>
      %sub3A_135 = vector.broadcast %or3A_134 : vector<32x1xi32> to vector<32x16384xi32>
      %sub3A_136 = arith.subi %get3A_130, %sub3A_135 : vector<32x16384xi32>
      %shift_right_logical3A_137 = arith.constant 15 : i32
      %shift_right_logical3A_138 = vector.broadcast %shift_right_logical3A_137 : i32 to vector<32x16384xi32>
      %shift_right_logical3A_139 = arith.shrui %sub3A_136, %shift_right_logical3A_138 : vector<32x16384xi32>
      %and3A_140 = arith.constant 65537 : i32
      %and3A_141 = vector.broadcast %and3A_140 : i32 to vector<32x16384xi32>
      %and3A_142 = arith.andi %shift_right_logical3A_139, %and3A_141 : vector<32x16384xi32>
      %reduce_sum3A_143 = arith.constant dense<0> : vector<32xi32>
      %reduce_sum3A_144 = vector.multi_reduction <add>, %and3A_142, %reduce_sum3A_143 [1] : vector<32x16384xi32> to vector<32xi32>
      %broadcast_in_dim3A_145 = vector.shape_cast %reduce_sum3A_144 : vector<32xi32> to vector<32x1xi32>
      %and3A_146 = arith.constant 65535 : i32
      %and3A_147 = vector.broadcast %and3A_146 : i32 to vector<32x1xi32>
      %and3A_148 = arith.andi %broadcast_in_dim3A_145, %and3A_147 : vector<32x1xi32>
      %shift_right_logical3A_149 = arith.constant 16 : i32
      %shift_right_logical3A_150 = vector.broadcast %shift_right_logical3A_149 : i32 to vector<32x1xi32>
      %shift_right_logical3A_151 = arith.shrui %broadcast_in_dim3A_145, %shift_right_logical3A_150 : vector<32x1xi32>
      %add3A_152 = arith.addi %and3A_148, %shift_right_logical3A_151 : vector<32x1xi32>
      %ge3A_153 = vector.broadcast %scan3A : i32 to vector<32x1xi32>
      %ge3A_154 = arith.cmpi sge, %add3A_152, %ge3A_153 : vector<32x1xi32>
      %select_n3A_155 = arith.select %ge3A_154, %or3A_127, %select_n3A_119 : vector<32x1xi1>, vector<32x1xi32>
      %scan3A_156 = arith.constant 2 : i32
      %scan3A_157 = arith.addi %scan3A_86, %scan3A_156 : i32
      %sub3A_158 = arith.constant 14 : i32
      %sub3A_159 = arith.subi %sub3A_158, %scan3A_157 : i32
      %shift_left3A_160 = arith.constant 1 : i32
      %shift_left3A_161 = arith.shli %shift_left3A_160, %sub3A_159 : i32
      %or3A_162 = vector.broadcast %shift_left3A_161 : i32 to vector<32x1xi32>
      %or3A_163 = arith.ori %select_n3A_155, %or3A_162 : vector<32x1xi32>
      %get3A_164 = arith.constant 0 : index
      %get3A_165 = arith.constant 0 : index
      %get3A_166 = vector.load %arg4[%get3A_164, %get3A_165] : memref<32x16384xi32, #tpu.memory_space<vmem>>, vector<32x16384xi32>
      %shift_left3A_167 = arith.constant 16 : i32
      %shift_left3A_168 = vector.broadcast %shift_left3A_167 : i32 to vector<32x1xi32>
      %shift_left3A_169 = arith.shli %or3A_163, %shift_left3A_168 : vector<32x1xi32>
      %or3A_170 = arith.ori %or3A_163, %shift_left3A_169 : vector<32x1xi32>
      %sub3A_171 = vector.broadcast %or3A_170 : vector<32x1xi32> to vector<32x16384xi32>
      %sub3A_172 = arith.subi %get3A_166, %sub3A_171 : vector<32x16384xi32>
      %shift_right_logical3A_173 = arith.constant 15 : i32
      %shift_right_logical3A_174 = vector.broadcast %shift_right_logical3A_173 : i32 to vector<32x16384xi32>
      %shift_right_logical3A_175 = arith.shrui %sub3A_172, %shift_right_logical3A_174 : vector<32x16384xi32>
      %and3A_176 = arith.constant 65537 : i32
      %and3A_177 = vector.broadcast %and3A_176 : i32 to vector<32x16384xi32>
      %and3A_178 = arith.andi %shift_right_logical3A_175, %and3A_177 : vector<32x16384xi32>
      %reduce_sum3A_179 = arith.constant dense<0> : vector<32xi32>
      %reduce_sum3A_180 = vector.multi_reduction <add>, %and3A_178, %reduce_sum3A_179 [1] : vector<32x16384xi32> to vector<32xi32>
      %broadcast_in_dim3A_181 = vector.shape_cast %reduce_sum3A_180 : vector<32xi32> to vector<32x1xi32>
      %and3A_182 = arith.constant 65535 : i32
      %and3A_183 = vector.broadcast %and3A_182 : i32 to vector<32x1xi32>
      %and3A_184 = arith.andi %broadcast_in_dim3A_181, %and3A_183 : vector<32x1xi32>
      %shift_right_logical3A_185 = arith.constant 16 : i32
      %shift_right_logical3A_186 = vector.broadcast %shift_right_logical3A_185 : i32 to vector<32x1xi32>
      %shift_right_logical3A_187 = arith.shrui %broadcast_in_dim3A_181, %shift_right_logical3A_186 : vector<32x1xi32>
      %add3A_188 = arith.addi %and3A_184, %shift_right_logical3A_187 : vector<32x1xi32>
      %ge3A_189 = vector.broadcast %scan3A : i32 to vector<32x1xi32>
      %ge3A_190 = arith.cmpi sge, %add3A_188, %ge3A_189 : vector<32x1xi32>
      %select_n3A_191 = arith.select %ge3A_190, %or3A_163, %select_n3A_155 : vector<32x1xi1>, vector<32x1xi32>
      scf.yield %select_n3A_191 : vector<32x1xi32>
    }
    %scan3A_26 = arith.constant 15 : i32
    %get3A_27 = arith.constant 0 : index
    %get3A_28 = arith.constant 0 : index
    %get3A_29 = vector.load %arg3[%get3A_27, %get3A_28] : memref<32x32768xi32, #tpu.memory_space<vmem>>, vector<32x32768xi32>
    %shift_right_logical3A_30 = arith.constant 2 : i32
    %shift_right_logical3A_31 = vector.broadcast %shift_right_logical3A_30 : i32 to vector<32x32768xi32>
    %shift_right_logical3A_32 = arith.shrui %get3A_29, %shift_right_logical3A_31 : vector<32x32768xi32>
    %shift_left3A_33 = arith.constant 15 : i32
    %shift_left3A_34 = vector.broadcast %shift_left3A_33 : i32 to vector<32x1xi32>
    %shift_left3A_35 = arith.shli %scan3A_25, %shift_left3A_34 : vector<32x1xi32>
    %sub3A = vector.broadcast %shift_left3A_35 : vector<32x1xi32> to vector<32x32768xi32>
    %sub3A_36 = arith.subi %shift_right_logical3A_32, %sub3A : vector<32x32768xi32>
    %jit3A = arith.constant 0 : i32
    %jit3A_37 = arith.constant 32767 : i32
    %max3A = vector.broadcast %jit3A : i32 to vector<32x32768xi32>
    %max3A_38 = arith.maxsi %max3A, %sub3A_36 : vector<32x32768xi32>
    %min3A = vector.broadcast %jit3A_37 : i32 to vector<32x32768xi32>
    %min3A_39 = arith.minsi %min3A, %max3A_38 : vector<32x32768xi32>
    %slice3A_40 = vector.extract_strided_slice %min3A_39 {offsets = [0, 0], sizes = [32, 16384], strides = [1, 1]} : vector<32x32768xi32> to vector<32x16384xi32>
    %slice3A_41 = vector.extract_strided_slice %min3A_39 {offsets = [0, 16384], sizes = [32, 16384], strides = [1, 1]} : vector<32x32768xi32> to vector<32x16384xi32>
    %shift_left3A_42 = arith.constant 16 : i32
    %shift_left3A_43 = vector.broadcast %shift_left3A_42 : i32 to vector<32x16384xi32>
    %shift_left3A_44 = arith.shli %slice3A_41, %shift_left3A_43 : vector<32x16384xi32>
    %or3A_45 = arith.ori %slice3A_40, %shift_left3A_44 : vector<32x16384xi32>
    %or3A_46 = arith.constant -2147450880 : i32
    %or3A_47 = vector.broadcast %or3A_46 : i32 to vector<32x16384xi32>
    %or3A_48 = arith.ori %or3A_45, %or3A_47 : vector<32x16384xi32>
    %swap3A_49 = arith.constant 0 : index
    %swap3A_50 = arith.constant 0 : index
    %swap3A_51 = vector.load %arg4[%swap3A_49, %swap3A_50] : memref<32x16384xi32, #tpu.memory_space<vmem>>, vector<32x16384xi32>
    tpu.vector_store %arg4[%swap3A_49, %swap3A_50], %or3A_48 {strides = array<i32>} : memref<32x16384xi32, #tpu.memory_space<vmem>>, vector<32x16384xi32>,
    %broadcast_in_dim3A_52 = arith.constant 0 : i32
    %broadcast_in_dim3A_53 = vector.broadcast %broadcast_in_dim3A_52 : i32 to vector<32x1xi32>
    %scan3A_54 = arith.constant 8192 : i32
    %scan3A_55 = arith.constant 0 : i32
    %scan3A_56 = arith.constant 9 : i32
    %scan3A_57 = arith.addi %scan3A_55, %scan3A_56 : i32
    %scan3A_58 = arith.constant 3 : i32
    %scan3A_59 = scf.for %scan3A_86 = %scan3A_55 to %scan3A_57 step %scan3A_58 iter_args(%scan3A_87 = %broadcast_in_dim3A_53) -> (vector<32x1xi32>)  : i32 {
      %sub3A_88 = arith.constant 14 : i32
      %sub3A_89 = arith.subi %sub3A_88, %scan3A_86 : i32
      %shift_left3A_90 = arith.constant 1 : i32
      %shift_left3A_91 = arith.shli %shift_left3A_90, %sub3A_89 : i32
      %or3A_92 = vector.broadcast %shift_left3A_91 : i32 to vector<32x1xi32>
      %or3A_93 = arith.ori %scan3A_87, %or3A_92 : vector<32x1xi32>
      %get3A_94 = arith.constant 0 : index
      %get3A_95 = arith.constant 0 : index
      %get3A_96 = vector.load %arg4[%get3A_94, %get3A_95] : memref<32x16384xi32, #tpu.memory_space<vmem>>, vector<32x16384xi32>
      %shift_left3A_97 = arith.constant 16 : i32
      %shift_left3A_98 = vector.broadcast %shift_left3A_97 : i32 to vector<32x1xi32>
      %shift_left3A_99 = arith.shli %or3A_93, %shift_left3A_98 : vector<32x1xi32>
      %or3A_100 = arith.ori %or3A_93, %shift_left3A_99 : vector<32x1xi32>
      %sub3A_101 = vector.broadcast %or3A_100 : vector<32x1xi32> to vector<32x16384xi32>
      %sub3A_102 = arith.subi %get3A_96, %sub3A_101 : vector<32x16384xi32>
      %shift_right_logical3A_103 = arith.constant 15 : i32
      %shift_right_logical3A_104 = vector.broadcast %shift_right_logical3A_103 : i32 to vector<32x16384xi32>
      %shift_right_logical3A_105 = arith.shrui %sub3A_102, %shift_right_logical3A_104 : vector<32x16384xi32>
      %and3A_106 = arith.constant 65537 : i32
      %and3A_107 = vector.broadcast %and3A_106 : i32 to vector<32x16384xi32>
      %and3A_108 = arith.andi %shift_right_logical3A_105, %and3A_107 : vector<32x16384xi32>
      %reduce_sum3A = arith.constant dense<0> : vector<32xi32>
      %reduce_sum3A_109 = vector.multi_reduction <add>, %and3A_108, %reduce_sum3A [1] : vector<32x16384xi32> to vector<32xi32>
      %broadcast_in_dim3A_110 = vector.shape_cast %reduce_sum3A_109 : vector<32xi32> to vector<32x1xi32>
      %and3A_111 = arith.constant 65535 : i32
      %and3A_112 = vector.broadcast %and3A_111 : i32 to vector<32x1xi32>
      %and3A_113 = arith.andi %broadcast_in_dim3A_110, %and3A_112 : vector<32x1xi32>
      %shift_right_logical3A_114 = arith.constant 16 : i32
      %shift_right_logical3A_115 = vector.broadcast %shift_right_logical3A_114 : i32 to vector<32x1xi32>
      %shift_right_logical3A_116 = arith.shrui %broadcast_in_dim3A_110, %shift_right_logical3A_115 : vector<32x1xi32>
      %add3A = arith.addi %and3A_113, %shift_right_logical3A_116 : vector<32x1xi32>
      %ge3A_117 = vector.broadcast %scan3A_54 : i32 to vector<32x1xi32>
      %ge3A_118 = arith.cmpi sge, %add3A, %ge3A_117 : vector<32x1xi32>
      %select_n3A_119 = arith.select %ge3A_118, %or3A_93, %scan3A_87 : vector<32x1xi1>, vector<32x1xi32>
      %scan3A_120 = arith.constant 1 : i32
      %scan3A_121 = arith.addi %scan3A_86, %scan3A_120 : i32
      %sub3A_122 = arith.constant 14 : i32
      %sub3A_123 = arith.subi %sub3A_122, %scan3A_121 : i32
      %shift_left3A_124 = arith.constant 1 : i32
      %shift_left3A_125 = arith.shli %shift_left3A_124, %sub3A_123 : i32
      %or3A_126 = vector.broadcast %shift_left3A_125 : i32 to vector<32x1xi32>
      %or3A_127 = arith.ori %select_n3A_119, %or3A_126 : vector<32x1xi32>
      %get3A_128 = arith.constant 0 : index
      %get3A_129 = arith.constant 0 : index
      %get3A_130 = vector.load %arg4[%get3A_128, %get3A_129] : memref<32x16384xi32, #tpu.memory_space<vmem>>, vector<32x16384xi32>
      %shift_left3A_131 = arith.constant 16 : i32
      %shift_left3A_132 = vector.broadcast %shift_left3A_131 : i32 to vector<32x1xi32>
      %shift_left3A_133 = arith.shli %or3A_127, %shift_left3A_132 : vector<32x1xi32>
      %or3A_134 = arith.ori %or3A_127, %shift_left3A_133 : vector<32x1xi32>
      %sub3A_135 = vector.broadcast %or3A_134 : vector<32x1xi32> to vector<32x16384xi32>
      %sub3A_136 = arith.subi %get3A_130, %sub3A_135 : vector<32x16384xi32>
      %shift_right_logical3A_137 = arith.constant 15 : i32
      %shift_right_logical3A_138 = vector.broadcast %shift_right_logical3A_137 : i32 to vector<32x16384xi32>
      %shift_right_logical3A_139 = arith.shrui %sub3A_136, %shift_right_logical3A_138 : vector<32x16384xi32>
      %and3A_140 = arith.constant 65537 : i32
      %and3A_141 = vector.broadcast %and3A_140 : i32 to vector<32x16384xi32>
      %and3A_142 = arith.andi %shift_right_logical3A_139, %and3A_141 : vector<32x16384xi32>
      %reduce_sum3A_143 = arith.constant dense<0> : vector<32xi32>
      %reduce_sum3A_144 = vector.multi_reduction <add>, %and3A_142, %reduce_sum3A_143 [1] : vector<32x16384xi32> to vector<32xi32>
      %broadcast_in_dim3A_145 = vector.shape_cast %reduce_sum3A_144 : vector<32xi32> to vector<32x1xi32>
      %and3A_146 = arith.constant 65535 : i32
      %and3A_147 = vector.broadcast %and3A_146 : i32 to vector<32x1xi32>
      %and3A_148 = arith.andi %broadcast_in_dim3A_145, %and3A_147 : vector<32x1xi32>
      %shift_right_logical3A_149 = arith.constant 16 : i32
      %shift_right_logical3A_150 = vector.broadcast %shift_right_logical3A_149 : i32 to vector<32x1xi32>
      %shift_right_logical3A_151 = arith.shrui %broadcast_in_dim3A_145, %shift_right_logical3A_150 : vector<32x1xi32>
      %add3A_152 = arith.addi %and3A_148, %shift_right_logical3A_151 : vector<32x1xi32>
      %ge3A_153 = vector.broadcast %scan3A_54 : i32 to vector<32x1xi32>
      %ge3A_154 = arith.cmpi sge, %add3A_152, %ge3A_153 : vector<32x1xi32>
      %select_n3A_155 = arith.select %ge3A_154, %or3A_127, %select_n3A_119 : vector<32x1xi1>, vector<32x1xi32>
      %scan3A_156 = arith.constant 2 : i32
      %scan3A_157 = arith.addi %scan3A_86, %scan3A_156 : i32
      %sub3A_158 = arith.constant 14 : i32
      %sub3A_159 = arith.subi %sub3A_158, %scan3A_157 : i32
      %shift_left3A_160 = arith.constant 1 : i32
      %shift_left3A_161 = arith.shli %shift_left3A_160, %sub3A_159 : i32
      %or3A_162 = vector.broadcast %shift_left3A_161 : i32 to vector<32x1xi32>
      %or3A_163 = arith.ori %select_n3A_155, %or3A_162 : vector<32x1xi32>
      %get3A_164 = arith.constant 0 : index
      %get3A_165 = arith.constant 0 : index
      %get3A_166 = vector.load %arg4[%get3A_164, %get3A_165] : memref<32x16384xi32, #tpu.memory_space<vmem>>, vector<32x16384xi32>
      %shift_left3A_167 = arith.constant 16 : i32
      %shift_left3A_168 = vector.broadcast %shift_left3A_167 : i32 to vector<32x1xi32>
      %shift_left3A_169 = arith.shli %or3A_163, %shift_left3A_168 : vector<32x1xi32>
      %or3A_170 = arith.ori %or3A_163, %shift_left3A_169 : vector<32x1xi32>
      %sub3A_171 = vector.broadcast %or3A_170 : vector<32x1xi32> to vector<32x16384xi32>
      %sub3A_172 = arith.subi %get3A_166, %sub3A_171 : vector<32x16384xi32>
      %shift_right_logical3A_173 = arith.constant 15 : i32
      %shift_right_logical3A_174 = vector.broadcast %shift_right_logical3A_173 : i32 to vector<32x16384xi32>
      %shift_right_logical3A_175 = arith.shrui %sub3A_172, %shift_right_logical3A_174 : vector<32x16384xi32>
      %and3A_176 = arith.constant 65537 : i32
      %and3A_177 = vector.broadcast %and3A_176 : i32 to vector<32x16384xi32>
      %and3A_178 = arith.andi %shift_right_logical3A_175, %and3A_177 : vector<32x16384xi32>
      %reduce_sum3A_179 = arith.constant dense<0> : vector<32xi32>
      %reduce_sum3A_180 = vector.multi_reduction <add>, %and3A_178, %reduce_sum3A_179 [1] : vector<32x16384xi32> to vector<32xi32>
      %broadcast_in_dim3A_181 = vector.shape_cast %reduce_sum3A_180 : vector<32xi32> to vector<32x1xi32>
      %and3A_182 = arith.constant 65535 : i32
      %and3A_183 = vector.broadcast %and3A_182 : i32 to vector<32x1xi32>
      %and3A_184 = arith.andi %broadcast_in_dim3A_181, %and3A_183 : vector<32x1xi32>
      %shift_right_logical3A_185 = arith.constant 16 : i32
      %shift_right_logical3A_186 = vector.broadcast %shift_right_logical3A_185 : i32 to vector<32x1xi32>
      %shift_right_logical3A_187 = arith.shrui %broadcast_in_dim3A_181, %shift_right_logical3A_186 : vector<32x1xi32>
      %add3A_188 = arith.addi %and3A_184, %shift_right_logical3A_187 : vector<32x1xi32>
      %ge3A_189 = vector.broadcast %scan3A_54 : i32 to vector<32x1xi32>
      %ge3A_190 = arith.cmpi sge, %add3A_188, %ge3A_189 : vector<32x1xi32>
      %select_n3A_191 = arith.select %ge3A_190, %or3A_163, %select_n3A_155 : vector<32x1xi1>, vector<32x1xi32>
      scf.yield %select_n3A_191 : vector<32x1xi32>
    }
    %scan3A_60 = arith.constant 9 : i32
    %shift_left3A_61 = arith.constant 17 : i32
    %shift_left3A_62 = vector.broadcast %shift_left3A_61 : i32 to vector<32x1xi32>
    %shift_left3A_63 = arith.shli %scan3A_25, %shift_left3A_62 : vector<32x1xi32>
    %shift_left3A_64 = arith.constant 2 : i32
    %shift_left3A_65 = vector.broadcast %shift_left3A_64 : i32 to vector<32x1xi32>
    %shift_left3A_66 = arith.shli %scan3A_59, %shift_left3A_65 : vector<32x1xi32>
    %or3A_67 = arith.ori %shift_left3A_63, %shift_left3A_66 : vector<32x1xi32>
    %xor3A_68 = arith.constant -2147483648 : i32
    %xor3A_69 = vector.broadcast %xor3A_68 : i32 to vector<32x1xi32>
    %xor3A_70 = arith.xori %or3A_67, %xor3A_69 : vector<32x1xi32>
    %shift_right_arithmetic3A_71 = arith.constant 31 : i32
    %shift_right_arithmetic3A_72 = vector.broadcast %shift_right_arithmetic3A_71 : i32 to vector<32x1xi32>
    %shift_right_arithmetic3A_73 = arith.shrsi %xor3A_70, %shift_right_arithmetic3A_72 : vector<32x1xi32>
    %and3A = arith.constant 2147483647 : i32
    %and3A_74 = vector.broadcast %and3A : i32 to vector<32x1xi32>
    %and3A_75 = arith.andi %shift_right_arithmetic3A_73, %and3A_74 : vector<32x1xi32>
    %xor3A_76 = arith.xori %xor3A_70, %and3A_75 : vector<32x1xi32>
    %bitcast_convert_type3A_77 = tpu.bitcast %xor3A_76 : vector<32x1xi32> -> vector<32x1xf32>
    %ge3A = vector.broadcast %bitcast_convert_type3A_77 : vector<32x1xf32> to vector<32x32768xf32>
    %ge3A_78 = arith.cmpf oge, %get3A_1, %ge3A : vector<32x32768xf32>
    %mul3A = arith.constant 2.000000e+00 : f32
    %mul3A_79 = vector.broadcast %mul3A : f32 to vector<32x32768xf32>
    %mul3A_80 = arith.mulf %get3A_1, %mul3A_79 : vector<32x32768xf32>
    %jit3A_81 = arith.constant 0.000000e+00 : f32
    %broadcast_in_dim3A_82 = vector.broadcast %jit3A_81 : f32 to vector<32x32768xf32>
    %select_n3A = arith.select %ge3A_78, %mul3A_80, %broadcast_in_dim3A_82 : vector<32x32768xi1>, vector<32x32768xf32>
    %swap3A_83 = arith.constant 0 : index
    %swap3A_84 = arith.constant 0 : index
    %swap3A_85 = vector.load %arg2[%swap3A_83, %swap3A_84] : memref<32x32768xf32, #tpu.memory_space<vmem>>, vector<32x32768xf32>
    tpu.vector_store %arg2[%swap3A_83, %swap3A_84], %select_n3A {strides = array<i32>} : memref<32x32768xf32, #tpu.memory_space<vmem>>, vector<32x32768xf32>,
    return
  }
  func.func @transform_0(%arg0: i32) -> (i32, i32) {
    %c0_i32 = arith.constant 0 : i32
    %c0_i32_0 = arith.constant 0 : i32
    return %arg0, %c0_i32 : i32, i32
  }
  func.func @transform_1(%arg0: i32) -> (i32, i32) {
    %c0_i32 = arith.constant 0 : i32
    %c0_i32_0 = arith.constant 0 : i32
    return %arg0, %c0_i32 : i32, i32
  }
}

</mosaic_0001>

<sc_bundles>
// kernel: kernel.4.cloned.1.call-start
scs
__scs_entry_jumppad:
0x0: {  	(pc) =	sbr.rel $0x88, $3  }
0x1: {  	(tag) =	ssettag $0x0;
	lr =	simm.s32 $0x1  }
0x2: {  	[smem:$0x3FA0] =	sst lr;
	_ =	strace $0xD0000000  }
0x3: {  	_ = 	snop  }
0x4: {  	_ = 	snop  }
0x5: {  	_ = 	snop  }
0x6: {  	_ = 	snop  }
0x7: {  	_ = 	snop  }
__scs_overlays_trampoline_lowered:
0x8: {  	[smem:$0x3FAF] =	sst s0  }
0x9: {  	[smem:$0x3FB0] =	sst s1  }
0xa: {  	[smem:$0x3FB1] =	sst s2  }
0xb: {  	[smem:$0x3FB2] =	sst s3  }
0xc: {  	[smem:$0x3FB3] =	sst s4  }
0xd: {  	[smem:$0x3FB4] =	sst s5  }
0xe: {  	[smem:$0x3FB5] =	sst s6  }
0xf: {  	[smem:$0x3FB6] =	sst s7  }
0x10: {  	[smem:$0x3FB7] =	sst s8  }
0x11: {  	[smem:$0x3FB8] =	sst s9;
	s0 =	simm.s32 @!p0 $0x0  }
0x12: {  	s1 =	sld [smem:$0x3F9E];
	s0 =	simm.s32 @p0 $0x1  }
0x13: {  	[smem:$0x3FB9] =	sst s0;
	s0 =	simm.s32 @!p1 $0x0  }
0x14: {  	s2 =	sld [smem:$0x3F9D];
	s0 =	simm.s32 @p1 $0x1  }
0x15: {  	[smem:$0x3FBA] =	sst s0;
	s0 =	simm.s32 @!p2 $0x0  }
0x16: {  	s3 =	sld [smem:$0x3FDB];
	s0 =	simm.s32 @p2 $0x1  }
0x17: {  	s4 =	simm.s32 $0x1BF5;
	[smem:$0x3FBC] =	sst s0  }
0x18: {  	s0 =	sld [smem:$0x3F9F];
	_ =	swait.ge [sflag:s4], $0x0  }
0x19: {  	s7 =	sld [smem:$0x3FA0]  }
0x1a: {  	s8 =	sadd.s32 $0xFFFFE003, lr  }
0x1b: {  	s9 =	sadd.s32 $0xFFFFFEF7, lr;
	s5 =	simm.s32 $0xFFFFFFFF;
	p2 =	slt.u32 s8, $0xFFFFF086  }
0x1c: {  	p1 =	slt.u32 s9, $0xF7A;
	s5 =	simm.s32 @!p2 $0x0  }
0x1d: {  	s5 =	simm.s32 @p1 $0x1;
	p0 =	seq.s32 s7, s2  }
0x1e: {  	s7 =	smul.u32 @!p0 $0xF7A, s2;
	p2 =	seq.s32 @!p0 s5, $0x0  }
0x1f: {  	s9 =	smul.u32 $0xF7A, s1;
	s8 =	simm.s32 @!p0 $0x1BF5;
	p2 =	por !p2, p0  }
0x20: {  	[sflag:s8] =	ssyncset.s32 @!p0 $0xFFFFF086;
	s6 =	sadd.s32 @!p0 s3, s7;
	s7 =	simm.s32 @!p0 $0x108  }
0x21: {  	s3 =	sadd.s32 s3, s9;
	s6 =	sadd.s32 @!p0 $0x88, s6;
	s7 =	simm.s32 @p2 $0x1082  }
0x22: {  	[simem:s7], [sflag:s8] =	dma.local @!p0 [hbm:s6], $0xF7A  }
0x23: {  	s9 =	sor.u32 $0xD0000000, s2;
	s6 =	simm.s32 $0x108;
	_ =	swait.ge @!p0 [sflag:s8], $0x0  }
0x24: {  	s3 =	sadd.s32 $0x88, s3;
	s6 =	simm.s32 @!p1 $0x1082;
	[sflag:s4] =	ssyncset.s32 $0xFFFFF086  }
0x25: {  	[simem:s6], [sflag:s4] =	dma.local [hbm:s3], $0xF7A  }
0x26: {  	[smem:$0x3FA0] =	sst s1;
	(tag) =	ssettag s2;
	_ =	strace s9  }
0x27: {  	s1 =	sld [smem:$0x3FB0]  }
0x28: {  	s2 =	sld [smem:$0x3FB1]  }
0x29: {  	s4 =	sld [smem:$0x3FB3]  }
0x2a: {  	p0 =	seq.s32 s5, $0x0;
	s5 =	sld [smem:$0x3FB4]  }
0x2b: {  	s6 =	sld [smem:$0x3FB5]  }
0x2c: {  	s7 =	sld [smem:$0x3FB6]  }
0x2d: {  	s3 =	simm.s32 $0x108;
	s8 =	sld [smem:$0x3FB7]  }
0x2e: {  	s3 =	simm.s32 @!p0 $0x1082;
	s9 =	sld [smem:$0x3FB8]  }
0x2f: {  	lr =	sadd.s32 s0, s3;
	s0 =	sld [smem:$0x3FAF]  }
0x30: {  	s3 =	sld [smem:$0x3FB2]  }
0x31: {  	[smem:$0x3FBB] =	sst s10  }
0x32: {  	s10 =	sld [smem:$0x3FB9];
	_ =	sdelay $0x3  }
0x33: {  	p0 =	seq.s32 s10, $0x1;
	s10 =	sld [smem:$0x3FBB];
	_ =	sdelay $0x3  }
0x34: {  	[smem:$0x3FBB] =	sst s10  }
0x35: {  	s10 =	sld [smem:$0x3FBA];
	_ =	sdelay $0x3  }
0x36: {  	p1 =	seq.s32 s10, $0x1;
	s10 =	sld [smem:$0x3FBB];
	_ =	sdelay $0x3  }
0x37: {  	[smem:$0x3FBB] =	sst s10  }
0x38: {  	s10 =	sld [smem:$0x3FBC]  }
0x39: {  	_ = 	snop;
	(pc) =	sbr.ind lr, $3  }
0x3a: {  	_ = 	snop  }
0x3b: {  	_ = 	snop  }
0x3c: {  	p2 =	seq.s32 s10, $0x1;
	s10 =	sld [smem:$0x3FBB]  }
0x3d: {  	_ =	shalt  }
0x3e: {  	_ =	shalt  }
0x3f: {  	_ =	shalt  }
0x40: {  	_ =	shalt  }
0x41: {  	_ =	shalt  }
0x42: {  	_ =	shalt  }
0x43: {  	_ =	shalt  }
0x44: {  	_ =	shalt  }
0x45: {  	_ =	shalt  }
0x46: {  	_ =	shalt  }
0x47: {  	_ =	shalt  }
0x48: {  	_ =	shalt  }
0x49: {  	_ =	shalt  }
0x4a: {  	_ =	shalt  }
0x4b: {  	_ =	shalt  }
0x4c: {  	_ =	shalt  }
0x4d: {  	_ =	shalt  }
0x4e: {  	_ =	shalt  }
0x4f: {  	_ =	shalt  }
0x50: {  	_ =	shalt  }
0x51: {  	_ =	shalt  }
0x52: {  	_ =	shalt  }
0x53: {  	_ =	shalt  }
0x54: {  	_ =	shalt  }
0x55: {  	_ =	shalt  }
0x56: {  	_ =	shalt  }
0x57: {  	_ =	shalt  }
0x58: {  	_ =	shalt  }
0x59: {  	_ =	shalt  }
0x5a: {  	_ =	shalt  }
0x5b: {  	_ =	shalt  }
0x5c: {  	_ =	shalt  }
0x5d: {  	_ =	shalt  }
0x5e: {  	_ =	shalt  }
0x5f: {  	_ =	shalt  }
0x60: {  	_ =	shalt  }
0x61: {  	_ =	shalt  }
0x62: {  	_ =	shalt  }
0x63: {  	_ =	shalt  }
0x64: {  	_ =	shalt  }
0x65: {  	_ =	shalt  }
0x66: {  	_ =	shalt  }
0x67: {  	_ =	shalt  }
0x68: {  	_ =	shalt  }
0x69: {  	_ =	shalt  }
0x6a: {  	_ =	shalt  }
0x6b: {  	_ =	shalt  }
0x6c: {  	_ =	shalt  }
0x6d: {  	_ =	shalt  }
0x6e: {  	_ =	shalt  }
0x6f: {  	_ =	shalt  }
0x70: {  	_ =	shalt  }
0x71: {  	_ =	shalt  }
0x72: {  	_ =	shalt  }
0x73: {  	_ =	shalt  }
0x74: {  	_ =	shalt  }
0x75: {  	_ =	shalt  }
0x76: {  	_ =	shalt  }
0x77: {  	_ =	shalt  }
0x78: {  	_ =	shalt  }
0x79: {  	_ =	shalt  }
0x7a: {  	_ =	shalt  }
0x7b: {  	_ =	shalt  }
0x7c: {  	_ =	shalt  }
0x7d: {  	_ =	shalt  }
0x7e: {  	_ =	shalt  }
0x7f: {  	_ =	shalt  }
0x80: {  	_ =	shalt  }
0x81: {  	_ =	shalt  }
0x82: {  	_ =	shalt  }
0x83: {  	_ =	shalt  }
0x84: {  	_ =	shalt  }
0x85: {  	_ =	shalt  }
0x86: {  	_ =	shalt  }
0x87: {  	_ =	shalt  }
.Lfunc_end0:
.L_simem_size_0:
called_computation_lowered:
.L_overlay_start_0:
0x88: {  	s2 =	sld [smem:$0x3FD9]  }
0x89: {  	s3 =	sld [smem:$0x3FFE];
	_ =	sdelay $0x1  }
0x8a: {  	s1 =	srdreg.scid  }
0x8b: {  	s0 =	sand.u32 $0x1, s1  }
0x8c: {  	s17 =	sshll.u32 s0, $0xA;
	s2 =	sadd.s32 s3, s2  }
0x8d: {  	s2 =	sadd.s32 s2, s17  }
0x8e: {  	[smem:$0x3FC7] =	sst s2  }
0x8f: {  	_ = 	snop  }
0x90: {  	s2 =	sld [smem:$0x3FC9];
	(tm) =	ssettm $0x1  }
0x91: {  	s18 =	sld [smem:$0x3FFB];
	_ =	sdelay $0x3  }
0x92: {  	_ =	strace s18  }
0x93: {  	s3 =	sld [smem:$0x3FFC];
	_ =	sdelay $0x3  }
0x94: {  	_ =	strace s3  }
0x95: {  	s3 =	sld [smem:$0x3FFD];
	_ =	sdelay $0x3  }
0x96: {  	_ =	strace s3  }
0x97: {  	_ =	strace $0x8FFFFFFF  }
0x98: {  	s19 =	sld [smem:$0x3FDB];
	_ =	sdelay $0x1  }
0x99: {  	s4 =	simm.s32 $_scs_section_size  }
0x9a: {  	s5 =	simm.s32 $_size__tile_overlayer_lowered;
	s6 =	simm.s32 $_tile_overlayer_lowered  }
0x9b: {  	s22 =	simm.s32 $0x1BFF;
	s21 =	sshll.u32 s6, $0x1;
	s3 =	sadd.s32 s4, s19  }
0x9c: {  	s7 =	simm.s32 $0x0;
	s20 =	sshll.u32 s5, $0x1;
	s5 =	sadd.s32 s21, s3  }
0x9d: {  	[timem:s7], [sflag:s22] =	dma.local [hbm:s5], s20  }
0x9e: {  	_ =	swait.ge [sflag:s22], s20  }
0x9f: {  	s4 =	ssub.s32 $0x0, s20;
	[sflag:s22] =	ssyncset.done $0x0  }
0xa0: {  	[sflag:s22] =	ssyncadd.s32 s4;
	_ =	sdelay $0x1  }
0xa1: {  	s23 =	simm.s32 $0x1B8B  }
0xa2: {  	_ =	swait.ge [sflag:s23], $0x1  }
0xa3: {  	[sflag:s23] =	ssyncset.done $0x0  }
0xa4: {  	s25 =	simm.s32 $0x1B8E;
	s24 =	sld [smem:$0x3FFE];
	[sflag:s23] =	ssyncadd.s32 $0xFFFFFFFF  }
0xa5: {  	s26 =	simm.s32 $execute0_lowered;
	[smem:$0x3FD2] =	sst s25  }
0xa6: {  	s5 =	sshll.u32 s26, $0x1;
	_ =	strace $0x80000046;
	[dreg:$0x1] =	wrdreg $0xFFFFFFFF  }
0xa7: {  	s28 =	simm.s32 $_size_execute0_lowered;
	s3 =	sadd.s32 s3, s5;
	[dreg:$0x0] =	wrdreg $0x0  }
0xa8: {  	s5 =	sshll.u32 s28, $0x1;
	[dreg:$0x2] =	wrdreg s3  }
0xa9: {  	[dreg:$0x3] =	wrdreg s5  }
0xaa: {  	[dreg:$0x4] =	wrdreg $0xC0  }
0xab: {  	_ =	task [dreg:s7], $0x5FFFF  }
0xac: {  	[dreg:$0x1] =	wrdreg $0xFFFFFFFF  }
0xad: {  	[dreg:$0x0] =	wrdreg $0x60  }
0xae: {  	[dreg:$0x2] =	wrdreg s2  }
0xaf: {  	[dreg:$0x3] =	wrdreg s24  }
0xb0: {  	[dreg:$0x4] =	wrdreg $0x9  }
0xb1: {  	_ =	task.clear_ibuf [dreg:s7], $0x5FFFF;
	_ =	strace $0x90000046  }
0xb2: {  	s29 =	simm.s32 $0x9;
	_ =	strace $0x80000048  }
0xb3: {  	_ =	swait.ge [sflag:s29], $0x1  }
0xb4: {  	[sflag:s29] =	ssyncadd.s32 $0xFFFFFFFF  }
0xb5: {  	_ =	strace $0x90000048  }
0xb6: {  	_ =	sfence  }
0xb7: {  	s30 =	sld [smem:$0x0];
	_ =	sdelay $0x2  }
0xb8: {  	s31 =	sshll.u32 s1, $0xD;
	s1 =	sshrl.u32 s1, $0x2  }
0xb9: {  	s3 =	sand.u32 $0x4000, s31;
	s1 =	sadd.s32 s1, s30  }
0xba: {  	s0 =	sor.u32 s3, s0;
	s1 =	sshll.u32 s1, $0x11  }
0xbb: {  	s0 =	sor.u32 s1, s0  }
0xbc: {  	s0 =	sadd.s32 $0x8F2B, s0  }
0xbd: {  	[sflag:s0] =	ssyncadd.remote.s32 $0x1  }
0xbe: {  	_ =	sfence.sel $0xFFFF  }
0xbf: {  	[dreg:$0x0] =	wrdreg $0xFFFFFFFF;
	(pc) =	sbr.abs _section_cstart, $3  }
0xc0: {  	[dreg:$0x1] =	wrdreg $0xFFFFFFFF  }
0xc1: {  	_ =	task.clear_ibuf [dreg:s7], $0x2FFFF;
	_ =	strace $0x9FFFFFFF  }
0xc2: {  	(tm) =	ssettm $0x7FFFFFFF  }
0xc3: {  	_ =	shalt  }
tec
execute0_lowered:
.L_overlay_start_1:
0x0: {  	(tag) =	ssettag $0x1  }
0x1: {  	s3 =	rddreg [dreg:$0x0]  }
0x2: {  	s4 =	rddreg [dreg:$0x1]  }
0x3: {  	s0 =	rddreg [dreg:$0x2]  }
0x4: {  	s5 =	srdreg.scid;
	s1 =	stileid.u32  }
0x5: {  	s2 =	simm.s32 $0x0;
	s9 =	simm.s32 $0x4000;
	s10 =	simm.s32 $0x0  }
0x6: {  	s5 =	sand.u32 $0x1, s5;
	s6 =	sshll.u32 s1, $0x5;
	s7 =	sshll.u32 s1, $0xD  }
0x7: {  	[smem:$0x7FF] =	sst s2;
	s8 =	sshll.u32 s5, $0x4;
	s6 =	sand.u32 $0x60, s6  }
0x8: {  	s7 =	sand.u32 $0x18000, s7;
	_ =	strace $0x80000047;
	s5 =	ssub.s32 $0x2, s5  }
0x9: {  	s6 =	sor.u32 s8, s6;
	s31 =	sshrl.u32 s5, $0x1;
	s8 =	simm.s32 $0x1  }
0xa: {  	s6 =	sor.u32 s7, s6;
	s5 =	ssub.s32 s5, s31;
	s7 =	simm.s32 $0x400  }
0xb: {  	s4 =	sadd.s32 s6, s4;
	s3 =	sadd.s32 s6, s3;
	s5 =	smax.u32 s5, $0x1  }
0xc: {  	s6 =	simm.s32 $0x80;
	s3 =	sadd.s32 $0x60000, s3;
	s4 =	sadd.s32 $0x600, s4  }
.LBB2_1:
0xd: {  	[tilespmem:s2], [sflag:$0x1] =	stream.strided.gather [hbm4b:s3+s6], $0x8000, s7, s6, $0x38;
	[tilespmem:$0x14000] =	vst v63  }
0xe: {  	_ =	swait.ge [sflag:s8], $0x8000  }
0xf: {  	[sflag:s8] =	ssyncset.done $0x0  }
0x10: {  	s12 =	simm.s32 $0x0;
	[sflag:s8] =	ssyncadd.s32 $0xFFFF8000  }
0x11: {  	v1 =	vld [tilespmem:s12+$0x4000]  }
0x12: {  	v2 =	vld [tilespmem:s12+$0x0];
	_ =	sdelay $0x3  }
0x13: {  	s11 =	simm.s32 $0x10;
	v0 =	vshra.s32 v1, $0x1F  }
0x14: {  	v3 =	vshra.s32 v2, $0x1F;
	v4 =	vor.u32 $0x80000000, v0;
	v0 =	vld [tilespmem:s11+$0x4000]  }
0x15: {  	v3 =	vor.u32 $0x80000000, v3;
	v4 =	vxor.u32 v1, v4;
	v1 =	vld [tilespmem:s11+$0x0]  }
0x16: {  	v2 =	vxor.u32 v2, v3;
	v3 =	vshrl.u32 v4, $0x1  }
0x17: {  	[tilespmem:s12+$0xC000] =	vst v4;
	v63 =	vshrl.u32 v2, $0x11;
	v3 =	vand.u32 $0x7FFF0000, v3  }
0x18: {  	s13 =	simm.s32 $0x80;
	[tilespmem:s12+$0x8000] =	vst v2;
	v2 =	vor.u32 v3, v63  }
.LBB2_2:
0x19: {  	s14 =	sshra.s32 s13, $0x2;
	p0 =	sne.s32 s13, $0xFFC0;
	s13 =	sadd.s32 $0x40, s13;
	v3 =	vshra.s32 v0, $0x1F;
	v6 =	vor.u32 $0x80008000, v2;
	v4 =	vmov v0  }
.Ltmp0:
0x1a: {  	v0 =	vld [tilespmem:s14+$0x4000];
	v5 =	vshra.s32 v1, $0x1F;
	v3 =	vor.u32 $0x80000000, v3;
	[tilespmem:s12+$0x10000] =	vst v6;
	v2 =	vmov v1;
	s12 =	smov.u32 s11;
	s11 =	smov.u32 s14;
	(pc) =	sbr.rel @p0 .LBB2_2-.Ltmp0, $4  }
0x1b: {  	v1 =	vld [tilespmem:s11+$0x0];
	v5 =	vor.u32 $0x80000000, v5;
	v3 =	vxor.u32 v4, v3  }
0x1c: {  	v2 =	vxor.u32 v2, v5;
	[tilespmem:s12+$0xC000] =	vst v3;
	v3 =	vshrl.u32 v3, $0x1  }
0x1d: {  	[tilespmem:s12+$0x8000] =	vst v2;
	v2 =	vshrl.u32 v2, $0x11;
	v3 =	vand.u32 $0x7FFF0000, v3  }
0x1e: {  	v2 =	vor.u32 v3, v2  }
0x1f: {  	v3 =	vshra.s32 v0, $0x1F  }
0x20: {  	v4 =	vshra.s32 v1, $0x1F;
	v3 =	vor.u32 $0x80000000, v3  }
0x21: {  	v4 =	vor.u32 $0x80000000, v4;
	v60 =	vxor.u32 v0, v3  }
0x22: {  	v2 =	vor.u32 $0x80008000, v2;
	v61 =	vxor.u32 v1, v4;
	v3 =	vshrl.u32 v60, $0x1  }
0x23: {  	[tilespmem:s12+$0x10000] =	vst v2;
	v62 =	vshrl.u32 v61, $0x11;
	v3 =	vand.u32 $0x7FFF0000, v3  }
0x24: {  	[tilespmem:s11+$0xC000] =	vst v60;
	v63 =	vor.u32 v3, v62  }
0x25: {  	[tilespmem:s11+$0x8000] =	vst v61;
	v0 =	vor.u32 $0x80008000, v63  }
0x26: {  	s12 =	simm.s32 $0x0;
	[tilespmem:s11+$0x10000] =	vst v0;
	s11 =	simm.s32 $0x0  }
.LBB2_4:
0x27: {  	s14 =	simm.s32 $0x10060  }
0x28: {  	v1 =	vld [tilespmem:s14+$0xFFFFFFB0]  }
0x29: {  	s15 =	simm.s32 $0xC0;
	v2 =	vld [tilespmem:s14+$0x40]  }
0x2a: {  	s16 =	sshrl.u32 s9, s12;
	s13 =	sor.u32 $0x60, s15;
	v7 =	vld [tilespmem:s14+$0x30]  }
0x2b: {  	s30 =	sor.u32 $0x50, s15;
	v3 =	vld [tilespmem:s13+$0x10000];
	s13 =	sor.u32 s16, s11  }
0x2c: {  	v6 =	vld [tilespmem:s30+$0x10000];
	s17 =	sshll.u32 s13, $0x10  }
0x2d: {  	v9 =	vld [tilespmem:s14+$0x0];
	s31 =	sor.u32 s13, s17  }
0x2e: {  	v10 =	vld [tilespmem:s14+$0xFFFFFFF0];
	v0 =	vmov s31  }
0x2f: {  	v4 =	vld [tilespmem:s14+$0x60];
	v1 =	vsub.s32 v1, v0  }
0x30: {  	v8 =	vimm.s32 $0x0;
	v11 =	vld [tilespmem:s14+$0x50];
	v2 =	vsub.s32 v2, v0;
	v1 =	vshrl.u32 v1, $0xF  }
0x31: {  	v13 =	vld [tilespmem:s14+$0xFFFFFFC0];
	v2 =	vshrl.u32 v2, $0xF;
	v3 =	vsub.s32 v3, v0;
	v6 =	vsub.s32 v6, v0  }
0x32: {  	v14 =	vld [tilespmem:s14+$0xFFFFFFA0];
	v1 =	vand.u32 $0x10001, v1;
	v12 =	vshrl.u32 v3, $0xF;
	v3 =	vsub.s32 v7, v0  }
0x33: {  	v15 =	vld [tilespmem:s14+$0xFFFFFFE0];
	v7 =	vsub.s32 v9, v0;
	v9 =	vsub.s32 v10, v0;
	v5 =	vadd.s32 v8, v1  }
0x34: {  	v10 =	vld [tilespmem:s14+$0x10];
	v1 =	vsub.s32 v4, v0;
	v4 =	vand.u32 $0x10001, v2;
	v2 =	vshrl.u32 v6, $0xF  }
0x35: {  	v16 =	vshrl.u32 v9, $0xF;
	v9 =	vshrl.u32 v7, $0xF;
	v7 =	vsub.s32 v11, v0  }
0x36: {  	v6 =	vand.u32 $0x10001, v12;
	v17 =	vshrl.u32 v7, $0xF;
	v12 =	vshrl.u32 v1, $0xF  }
0x37: {  	v11 =	vld [tilespmem:s14+$0xFFFFFFD0];
	v1 =	vsub.s32 v13, v0;
	v13 =	vsub.s32 v14, v0;
	v7 =	vand.u32 $0x10001, v2  }
0x38: {  	v14 =	vsub.s32 v15, v0;
	v2 =	vshrl.u32 v1, $0xF;
	v1 =	vand.u32 $0x10001, v17  }
0x39: {  	v17 =	vshrl.u32 v13, $0xF;
	v13 =	vshrl.u32 v14, $0xF;
	v14 =	vsub.s32 v10, v0;
	v10 =	vld [tilespmem:s14+$0x20]  }
0x3a: {  	v3 =	vshrl.u32 v3, $0xF;
	v15 =	vand.u32 $0x10001, v16  }
0x3b: {  	s15 =	sor.u32 $0x70, s15;
	v19 =	vand.u32 $0x10001, v2;
	v18 =	vand.u32 $0x10001, v17;
	v16 =	vshrl.u32 v14, $0xF  }
0x3c: {  	s16 =	simm.s32 $0x10160;
	v2 =	vld [tilespmem:s15+$0x10000];
	s15 =	simm.s32 $0x1C0;
	s14 =	simm.s32 $0x0;
	v14 =	vadd.s32 v8, v19;
	v17 =	vsub.s32 v11, v0;
	v11 =	vimm.s32 $0x0  }
.LBB2_5:
0x3d: {  	v19 =	vld [tilespmem:s16+$0xFFFFFFB0];
	s18 =	sor.u32 $0x50, s15;
	s19 =	sor.u32 $0x60, s15;
	s17 =	sor.u32 $0x70, s15;
	v8 =	vadd.s32 v8, v18;
	v16 =	vand.u32 $0x10001, v16;
	v12 =	vand.u32 $0x10001, v12  }
0x3e: {  	s14 =	sadd.s32 $0x4, s14;
	v17 =	vshrl.u32 v17, $0xF;
	v5 =	vadd.s32 v15, v5;
	v10 =	vsub.s32 v10, v0;
	v18 =	vld [tilespmem:s16+$0x40]  }
0x3f: {  	v13 =	vand.u32 $0x10001, v13;
	v9 =	vand.u32 $0x10001, v9;
	p0 =	slt.u32 s14, $0xFC;
	v17 =	vand.u32 $0x10001, v17;
	v15 =	vld [tilespmem:s19+$0x10000]  }
0x40: {  	v8 =	vadd.s32 v13, v8;
	v9 =	vadd.s32 v9, v14;
	v11 =	vadd.s32 v11, v17;
	v20 =	vld [tilespmem:s16+$0x60]  }
0x41: {  	v3 =	vand.u32 $0x10001, v3;
	v10 =	vshrl.u32 v10, $0xF;
	v4 =	vadd.s32 v4, v9;
	v13 =	vld [tilespmem:s18+$0x10000]  }
0x42: {  	v3 =	vadd.s32 v3, v5;
	v10 =	vand.u32 $0x10001, v10;
	v9 =	vsub.s32 v19, v0;
	v14 =	vld [tilespmem:s16+$0x30]  }
0x43: {  	v3 =	vadd.s32 v7, v3;
	v19 =	vadd.s32 v6, v4;
	v17 =	vld [tilespmem:s16+$0x0];
	v5 =	vsub.s32 v18, v0  }
0x44: {  	v4 =	vshrl.u32 v9, $0xF;
	v9 =	vadd.s32 v16, v11;
	v6 =	vld [tilespmem:s16+$0xFFFFFFF0];
	v7 =	vshrl.u32 v5, $0xF  }
0x45: {  	v8 =	vadd.s32 v10, v8;
	v4 =	vand.u32 $0x10001, v4;
	v11 =	vsub.s32 v15, v0;
	v16 =	vld [tilespmem:s16+$0xFFFFFFC0]  }
0x46: {  	v5 =	vadd.s32 v3, v4;
	v18 =	vsub.s32 v20, v0;
	v20 =	vshrl.u32 v11, $0xF;
	v15 =	vld [tilespmem:s16+$0xFFFFFFA0]  }
0x47: {  	v2 =	vsub.s32 v2, v0;
	v11 =	vsub.s32 v13, v0;
	v3 =	vsub.s32 v14, v0;
	v14 =	vld [tilespmem:s16+$0x50]  }
0x48: {  	v2 =	vshrl.u32 v2, $0xF;
	v13 =	vld [tilespmem:s16+$0xFFFFFFE0];
	v17 =	vsub.s32 v17, v0;
	v3 =	vshrl.u32 v3, $0xF  }
0x49: {  	v4 =	vand.u32 $0x10001, v7;
	v7 =	vshrl.u32 v11, $0xF;
	v11 =	vand.u32 $0x10001, v2;
	v10 =	vld [tilespmem:s16+$0x20]  }
0x4a: {  	v8 =	vadd.s32 v12, v8;
	v1 =	vadd.s32 v1, v9;
	v6 =	vsub.s32 v6, v0;
	v2 =	vld [tilespmem:s17+$0x10000]  }
0x4b: {  	v11 =	vadd.s32 v11, v1;
	v9 =	vshrl.u32 v17, $0xF;
	v21 =	vshrl.u32 v6, $0xF;
	v17 =	vld [tilespmem:s16+$0x10]  }
0x4c: {  	v6 =	vand.u32 $0x10001, v20;
	v1 =	vsub.s32 v14, v0  }
0x4d: {  	v12 =	vshrl.u32 v18, $0xF;
	v20 =	vld [tilespmem:s16+$0xFFFFFFD0];
	v1 =	vshrl.u32 v1, $0xF  }
.Ltmp1:
0x4e: {  	v7 =	vand.u32 $0x10001, v7;
	v14 =	vsub.s32 v15, v0;
	v15 =	vsub.s32 v16, v0;
	(pc) =	sbr.rel @p0 .LBB2_5-.Ltmp1, $4  }
0x4f: {  	v15 =	vshrl.u32 v15, $0xF;
	v13 =	vsub.s32 v13, v0;
	v1 =	vand.u32 $0x10001, v1  }
0x50: {  	v14 =	vshrl.u32 v14, $0xF;
	v13 =	vshrl.u32 v13, $0xF;
	v16 =	vsub.s32 v17, v0  }
0x51: {  	v17 =	vand.u32 $0x10001, v15;
	v15 =	vand.u32 $0x10001, v21;
	v16 =	vshrl.u32 v16, $0xF  }
0x52: {  	s15 =	sadd.s32 $0x100, s15;
	s16 =	sadd.s32 $0x100, s16;
	v18 =	vand.u32 $0x10001, v14;
	v14 =	vadd.s32 v19, v17;
	v17 =	vsub.s32 v20, v0  }
0x53: {  	v8 =	vadd.s32 v8, v18;
	v16 =	vand.u32 $0x10001, v16;
	v12 =	vand.u32 $0x10001, v12  }
0x54: {  	v17 =	vshrl.u32 v17, $0xF;
	v5 =	vadd.s32 v15, v5;
	v10 =	vsub.s32 v10, v0  }
0x55: {  	v13 =	vand.u32 $0x10001, v13;
	v9 =	vand.u32 $0x10001, v9;
	v3 =	vand.u32 $0x10001, v3  }
0x56: {  	v60 =	vsub.s32 v2, v0;
	v58 =	vand.u32 $0x10001, v17;
	v8 =	vadd.s32 v13, v8  }
0x57: {  	v9 =	vadd.s32 v9, v14;
	v10 =	vshrl.u32 v10, $0xF;
	v3 =	vadd.s32 v3, v5  }
0x58: {  	v0 =	vshrl.u32 v60, $0xF;
	v11 =	vadd.s32 v11, v58;
	v59 =	vand.u32 $0x10001, v10  }
0x59: {  	v4 =	vadd.s32 v4, v9;
	v3 =	vadd.s32 v7, v3;
	v5 =	vadd.s32 v59, v8  }
0x5a: {  	v0 =	vand.u32 $0x10001, v0;
	v61 =	vadd.s32 v16, v11;
	v5 =	vadd.s32 v12, v5  }
0x5b: {  	v4 =	vadd.s32 v6, v4;
	v1 =	vadd.s32 v1, v61;
	v62 =	vadd.s32 v5, v3  }
0x5c: {  	v0 =	vadd.s32 v0, v1;
	v63 =	vadd.s32 v4, v62  }
0x5d: {  	v0 =	vadd.s32 v0, v63  }
0x5e: {  	(xrf0) =	vadd.scan.msk.s32 $0xffff, v0;
	_ =	sdelay $0x5  }
0x5f: {  	v0, _, _ =	vpop (xrf0)  }
0x60: {  	(v2sf) =	vpush v0, $0xF;
	_ =	sdelay $0xc  }
0x61: {  	s12 =	sadd.s32 $0x1, s12  }
0x62: {  	p1 =	sne.s32 s12, $0xF  }
.Ltmp2:
0x63: {  	s14 =	spop (v2sf);
	(pc) =	sbr.rel @p1 .LBB2_4-.Ltmp2, $4  }
0x64: {  	s15 =	sand.u32 $0xFFFF, s14;
	s14 =	sshrl.u32 s14, $0x10  }
0x65: {  	s14 =	sadd.s32 s14, s15  }
0x66: {  	p0 =	sgt.u32 s14, $0x1FFF  }
0x67: {  	s11 =	smov.u32 @p0 s13  }
0x68: {  	s12 =	simm.s32 $0x0  }
0x69: {  	s14 =	sand.u32 $0x3FF0, s12  }
0x6a: {  	s13 =	simm.s32 $0x8000;
	v1 =	vld [tilespmem:s14+$0xC000]  }
0x6b: {  	v2 =	vld [tilespmem:s13+$0x0];
	_ =	sdelay $0x2  }
0x6c: {  	s31 =	sshll.u32 s11, $0xF  }
0x6d: {  	v0 =	vmov s31;
	v1 =	vshrl.u32 v1, $0x2  }
0x6e: {  	v2 =	vshrl.u32 v2, $0x2;
	v1 =	vsub.s32 v1, v0  }
0x6f: {  	v2 =	vsub.s32 v2, v0;
	vm0 =	vgt.s32 v1, $0x0  }
0x70: {  	vm1 =	vgt.s32 v2, $0x0;
	v1 =	vnsel vm0, $0x0, v1  }
0x71: {  	v2 =	vnsel vm1, $0x0, v2;
	v1 =	vmin.u32 v1, $0x7FFF  }
0x72: {  	v2 =	vmin.u32 v2, $0x7FFF;
	v1 =	vshll.u32 v1, $0x10  }
0x73: {  	v1 =	vor.u32 v2, v1  }
0x74: {  	s15 =	simm.s32 $0x10;
	s14 =	simm.s32 $0x10000;
	v1 =	vor.u32 $0x80008000, v1  }
0x75: {  	s16 =	sand.u32 $0x3FF0, s15;
	s15 =	simm.s32 $0x20;
	[tilespmem:s14+$0x0] =	vst v1  }
.LBB2_8:
0x76: {  	p0 =	sne.s32 s15, $0x3FF0;
	v1 =	vld [tilespmem:s16+$0xC000];
	s13 =	sadd.s32 $0x10, s13  }
0x77: {  	v2 =	vld [tilespmem:s13+$0x0];
	_ =	sdelay $0x3  }
0x78: {  	v1 =	vshrl.u32 v1, $0x2  }
0x79: {  	v2 =	vshrl.u32 v2, $0x2;
	v1 =	vsub.s32 v1, v0  }
0x7a: {  	v2 =	vsub.s32 v2, v0;
	vm0 =	vgt.s32 v1, $0x0  }
0x7b: {  	vm1 =	vgt.s32 v2, $0x0;
	v1 =	vnsel vm0, $0x0, v1  }
.Ltmp3:
0x7c: {  	v2 =	vnsel vm1, $0x0, v2;
	v1 =	vmin.u32 v1, $0x7FFF;
	(pc) =	sbr.rel @p0 .LBB2_8-.Ltmp3, $4  }
0x7d: {  	v2 =	vmin.u32 v2, $0x7FFF;
	v1 =	vshll.u32 v1, $0x10  }
0x7e: {  	v1 =	vor.u32 v2, v1  }
0x7f: {  	s14 =	sadd.s32 $0x10, s14;
	v1 =	vor.u32 $0x80008000, v1  }
0x80: {  	s16 =	sand.u32 $0x3FF0, s15;
	s15 =	sadd.s32 $0x10, s15;
	[tilespmem:s14+$0x0] =	vst v1  }
0x81: {  	v1 =	vld [tilespmem:s16+$0xC000];
	s13 =	sadd.s32 $0x10, s13  }
0x82: {  	v2 =	vld [tilespmem:s13+$0x0];
	_ =	sdelay $0x3  }
0x83: {  	v1 =	vshrl.u32 v1, $0x2  }
0x84: {  	v2 =	vshrl.u32 v2, $0x2;
	v1 =	vsub.s32 v1, v0  }
0x85: {  	v63 =	vsub.s32 v2, v0;
	vm0 =	vgt.s32 v1, $0x0  }
0x86: {  	vm1 =	vgt.s32 v63, $0x0;
	v1 =	vnsel vm0, $0x0, v1  }
0x87: {  	v0 =	vnsel vm1, $0x0, v63;
	v1 =	vmin.u32 v1, $0x7FFF  }
0x88: {  	v0 =	vmin.u32 v0, $0x7FFF;
	v1 =	vshll.u32 v1, $0x10  }
0x89: {  	v0 =	vor.u32 v0, v1  }
0x8a: {  	s31 =	sadd.s32 $0x10, s14;
	v0 =	vor.u32 $0x80008000, v0  }
0x8b: {  	s13 =	simm.s32 $0x0;
	[tilespmem:s31+$0x0] =	vst v0  }
.LBB2_10:
0x8c: {  	s15 =	simm.s32 $0x10060  }
0x8d: {  	v1 =	vld [tilespmem:s15+$0xFFFFFFB0]  }
0x8e: {  	s16 =	simm.s32 $0xC0;
	v2 =	vld [tilespmem:s15+$0x40]  }
0x8f: {  	s17 =	sshrl.u32 s9, s13;
	s14 =	sor.u32 $0x60, s16;
	v7 =	vld [tilespmem:s15+$0x30]  }
0x90: {  	s30 =	sor.u32 $0x50, s16;
	v3 =	vld [tilespmem:s14+$0x10000];
	s14 =	sor.u32 s17, s12  }
0x91: {  	v6 =	vld [tilespmem:s30+$0x10000];
	s18 =	sshll.u32 s14, $0x10  }
0x92: {  	v9 =	vld [tilespmem:s15+$0x0];
	s31 =	sor.u32 s14, s18  }
0x93: {  	v10 =	vld [tilespmem:s15+$0xFFFFFFF0];
	v0 =	vmov s31  }
0x94: {  	v4 =	vld [tilespmem:s15+$0x60];
	v1 =	vsub.s32 v1, v0  }
0x95: {  	v8 =	vimm.s32 $0x0;
	v11 =	vld [tilespmem:s15+$0x50];
	v2 =	vsub.s32 v2, v0;
	v1 =	vshrl.u32 v1, $0xF  }
0x96: {  	v13 =	vld [tilespmem:s15+$0xFFFFFFC0];
	v2 =	vshrl.u32 v2, $0xF;
	v3 =	vsub.s32 v3, v0;
	v6 =	vsub.s32 v6, v0  }
0x97: {  	v14 =	vld [tilespmem:s15+$0xFFFFFFA0];
	v1 =	vand.u32 $0x10001, v1;
	v12 =	vshrl.u32 v3, $0xF;
	v3 =	vsub.s32 v7, v0  }
0x98: {  	v15 =	vld [tilespmem:s15+$0xFFFFFFE0];
	v7 =	vsub.s32 v9, v0;
	v9 =	vsub.s32 v10, v0;
	v5 =	vadd.s32 v8, v1  }
0x99: {  	v10 =	vld [tilespmem:s15+$0x10];
	v1 =	vsub.s32 v4, v0;
	v4 =	vand.u32 $0x10001, v2;
	v2 =	vshrl.u32 v6, $0xF  }
0x9a: {  	v16 =	vshrl.u32 v9, $0xF;
	v9 =	vshrl.u32 v7, $0xF;
	v7 =	vsub.s32 v11, v0  }
0x9b: {  	v6 =	vand.u32 $0x10001, v12;
	v17 =	vshrl.u32 v7, $0xF;
	v12 =	vshrl.u32 v1, $0xF  }
0x9c: {  	v11 =	vld [tilespmem:s15+$0xFFFFFFD0];
	v1 =	vsub.s32 v13, v0;
	v13 =	vsub.s32 v14, v0;
	v7 =	vand.u32 $0x10001, v2  }
0x9d: {  	v14 =	vsub.s32 v15, v0;
	v2 =	vshrl.u32 v1, $0xF;
	v1 =	vand.u32 $0x10001, v17  }
0x9e: {  	v17 =	vshrl.u32 v13, $0xF;
	v13 =	vshrl.u32 v14, $0xF;
	v14 =	vsub.s32 v10, v0;
	v10 =	vld [tilespmem:s15+$0x20]  }
0x9f: {  	v3 =	vshrl.u32 v3, $0xF;
	v15 =	vand.u32 $0x10001, v16  }
0xa0: {  	s16 =	sor.u32 $0x70, s16;
	v19 =	vand.u32 $0x10001, v2;
	v18 =	vand.u32 $0x10001, v17;
	v16 =	vshrl.u32 v14, $0xF  }
0xa1: {  	s17 =	simm.s32 $0x10160;
	v2 =	vld [tilespmem:s16+$0x10000];
	s16 =	simm.s32 $0x1C0;
	s15 =	simm.s32 $0x0;
	v14 =	vadd.s32 v8, v19;
	v17 =	vsub.s32 v11, v0;
	v11 =	vimm.s32 $0x0  }
.LBB2_11:
0xa2: {  	v19 =	vld [tilespmem:s17+$0xFFFFFFB0];
	s19 =	sor.u32 $0x50, s16;
	s20 =	sor.u32 $0x60, s16;
	s18 =	sor.u32 $0x70, s16;
	v8 =	vadd.s32 v8, v18;
	v16 =	vand.u32 $0x10001, v16;
	v12 =	vand.u32 $0x10001, v12  }
0xa3: {  	s15 =	sadd.s32 $0x4, s15;
	v17 =	vshrl.u32 v17, $0xF;
	v5 =	vadd.s32 v15, v5;
	v10 =	vsub.s32 v10, v0;
	v18 =	vld [tilespmem:s17+$0x40]  }
0xa4: {  	v13 =	vand.u32 $0x10001, v13;
	v9 =	vand.u32 $0x10001, v9;
	p0 =	slt.u32 s15, $0xFC;
	v17 =	vand.u32 $0x10001, v17;
	v15 =	vld [tilespmem:s20+$0x10000]  }
0xa5: {  	v8 =	vadd.s32 v13, v8;
	v9 =	vadd.s32 v9, v14;
	v11 =	vadd.s32 v11, v17;
	v20 =	vld [tilespmem:s17+$0x60]  }
0xa6: {  	v3 =	vand.u32 $0x10001, v3;
	v10 =	vshrl.u32 v10, $0xF;
	v4 =	vadd.s32 v4, v9;
	v13 =	vld [tilespmem:s19+$0x10000]  }
0xa7: {  	v3 =	vadd.s32 v3, v5;
	v10 =	vand.u32 $0x10001, v10;
	v9 =	vsub.s32 v19, v0;
	v14 =	vld [tilespmem:s17+$0x30]  }
0xa8: {  	v3 =	vadd.s32 v7, v3;
	v19 =	vadd.s32 v6, v4;
	v17 =	vld [tilespmem:s17+$0x0];
	v5 =	vsub.s32 v18, v0  }
0xa9: {  	v4 =	vshrl.u32 v9, $0xF;
	v9 =	vadd.s32 v16, v11;
	v6 =	vld [tilespmem:s17+$0xFFFFFFF0];
	v7 =	vshrl.u32 v5, $0xF  }
0xaa: {  	v8 =	vadd.s32 v10, v8;
	v4 =	vand.u32 $0x10001, v4;
	v11 =	vsub.s32 v15, v0;
	v16 =	vld [tilespmem:s17+$0xFFFFFFC0]  }
0xab: {  	v5 =	vadd.s32 v3, v4;
	v18 =	vsub.s32 v20, v0;
	v20 =	vshrl.u32 v11, $0xF;
	v15 =	vld [tilespmem:s17+$0xFFFFFFA0]  }
0xac: {  	v2 =	vsub.s32 v2, v0;
	v11 =	vsub.s32 v13, v0;
	v3 =	vsub.s32 v14, v0;
	v14 =	vld [tilespmem:s17+$0x50]  }
0xad: {  	v2 =	vshrl.u32 v2, $0xF;
	v13 =	vld [tilespmem:s17+$0xFFFFFFE0];
	v17 =	vsub.s32 v17, v0;
	v3 =	vshrl.u32 v3, $0xF  }
0xae: {  	v4 =	vand.u32 $0x10001, v7;
	v7 =	vshrl.u32 v11, $0xF;
	v11 =	vand.u32 $0x10001, v2;
	v10 =	vld [tilespmem:s17+$0x20]  }
0xaf: {  	v8 =	vadd.s32 v12, v8;
	v1 =	vadd.s32 v1, v9;
	v6 =	vsub.s32 v6, v0;
	v2 =	vld [tilespmem:s18+$0x10000]  }
0xb0: {  	v11 =	vadd.s32 v11, v1;
	v9 =	vshrl.u32 v17, $0xF;
	v21 =	vshrl.u32 v6, $0xF;
	v17 =	vld [tilespmem:s17+$0x10]  }
0xb1: {  	v6 =	vand.u32 $0x10001, v20;
	v1 =	vsub.s32 v14, v0  }
0xb2: {  	v12 =	vshrl.u32 v18, $0xF;
	v20 =	vld [tilespmem:s17+$0xFFFFFFD0];
	v1 =	vshrl.u32 v1, $0xF  }
.Ltmp4:
0xb3: {  	v7 =	vand.u32 $0x10001, v7;
	v14 =	vsub.s32 v15, v0;
	v15 =	vsub.s32 v16, v0;
	(pc) =	sbr.rel @p0 .LBB2_11-.Ltmp4, $4  }
0xb4: {  	v15 =	vshrl.u32 v15, $0xF;
	v13 =	vsub.s32 v13, v0;
	v1 =	vand.u32 $0x10001, v1  }
0xb5: {  	v14 =	vshrl.u32 v14, $0xF;
	v13 =	vshrl.u32 v13, $0xF;
	v16 =	vsub.s32 v17, v0  }
0xb6: {  	v17 =	vand.u32 $0x10001, v15;
	v15 =	vand.u32 $0x10001, v21;
	v16 =	vshrl.u32 v16, $0xF  }
0xb7: {  	s16 =	sadd.s32 $0x100, s16;
	s17 =	sadd.s32 $0x100, s17;
	v18 =	vand.u32 $0x10001, v14;
	v14 =	vadd.s32 v19, v17;
	v17 =	vsub.s32 v20, v0  }
0xb8: {  	v8 =	vadd.s32 v8, v18;
	v16 =	vand.u32 $0x10001, v16;
	v12 =	vand.u32 $0x10001, v12  }
0xb9: {  	v17 =	vshrl.u32 v17, $0xF;
	v5 =	vadd.s32 v15, v5;
	v10 =	vsub.s32 v10, v0  }
0xba: {  	v13 =	vand.u32 $0x10001, v13;
	v9 =	vand.u32 $0x10001, v9;
	v3 =	vand.u32 $0x10001, v3  }
0xbb: {  	v60 =	vsub.s32 v2, v0;
	v58 =	vand.u32 $0x10001, v17;
	v8 =	vadd.s32 v13, v8  }
0xbc: {  	v9 =	vadd.s32 v9, v14;
	v10 =	vshrl.u32 v10, $0xF;
	v3 =	vadd.s32 v3, v5  }
0xbd: {  	v0 =	vshrl.u32 v60, $0xF;
	v11 =	vadd.s32 v11, v58;
	v59 =	vand.u32 $0x10001, v10  }
0xbe: {  	v4 =	vadd.s32 v4, v9;
	v3 =	vadd.s32 v7, v3;
	v5 =	vadd.s32 v59, v8  }
0xbf: {  	v0 =	vand.u32 $0x10001, v0;
	v61 =	vadd.s32 v16, v11;
	v5 =	vadd.s32 v12, v5  }
0xc0: {  	v4 =	vadd.s32 v6, v4;
	v1 =	vadd.s32 v1, v61;
	v62 =	vadd.s32 v5, v3  }
0xc1: {  	v0 =	vadd.s32 v0, v1;
	v63 =	vadd.s32 v4, v62  }
0xc2: {  	v0 =	vadd.s32 v0, v63  }
0xc3: {  	(xrf0) =	vadd.scan.msk.s32 $0xffff, v0;
	_ =	sdelay $0x5  }
0xc4: {  	v0, _, _ =	vpop (xrf0)  }
0xc5: {  	(v2sf) =	vpush v0, $0xF;
	_ =	sdelay $0xc  }
0xc6: {  	s13 =	sadd.s32 $0x1, s13  }
0xc7: {  	p1 =	sne.s32 s13, $0x6  }
.Ltmp5:
0xc8: {  	s15 =	spop (v2sf);
	(pc) =	sbr.rel @p1 .LBB2_10-.Ltmp5, $4  }
0xc9: {  	s16 =	sand.u32 $0xFFFF, s15;
	s15 =	sshrl.u32 s15, $0x10  }
0xca: {  	s15 =	sadd.s32 s15, s16  }
0xcb: {  	p0 =	sgt.u32 s15, $0x1FFF  }
0xcc: {  	s12 =	smov.u32 @p0 s14  }
0xcd: {  	s11 =	sshll.u32 s11, $0x11  }
0xce: {  	s12 =	sshll.u32 s12, $0x2;
	s13 =	simm.s32 $0x0;
	p0 =	slt.s32 s11, $0x0  }
0xcf: {  	s11 =	sor.u32 s11, s12;
	s13 =	simm.s32 @!p0 $0x7FFFFFFF  }
0xd0: {  	s11 =	sxor.u32 s13, s11  }
0xd1: {  	s11 =	sxor.u32 $0x80000000, s11  }
0xd2: {  	v0 =	vmov s11  }
0xd3: {  	s12 =	simm.s32 $0x40;
	s11 =	simm.s32 $0x0;
	v0 =	vbroadcast v0, $0x0  }
.LBB2_14:
0xd4: {  	p0 =	sne.s32 s12, $0x1FFC0;
	v1 =	vld [tilespmem:s11+$0x0];
	_ =	sdelay $0x3  }
.Ltmp6:
0xd5: {  	(pc) =	sbr.rel @p0 .LBB2_14-.Ltmp6, $4  }
0xd6: {  	v2 =	vadd.f32 v1, v1  }
0xd7: {  	vm0 =	vge.f32 v1, v0  }
0xd8: {  	v1 =	vnsel vm0, $0x0, v2  }
0xd9: {  	[tilespmem:s11+$0x0] =	vst v1;
	s11 =	sshra.s32 s12, $0x2;
	s12 =	sadd.s32 $0x40, s12  }
0xda: {  	v1 =	vld [tilespmem:s11+$0x0];
	_ =	sdelay $0x4  }
0xdb: {  	v2 =	vadd.f32 v1, v1  }
0xdc: {  	s10 =	sadd.s32 $0x1, s10;
	vm0 =	vge.f32 v1, v0  }
0xdd: {  	p0 =	sne.s32 s10, s5;
	v0 =	vnsel vm0, $0x0, v2  }
.Ltmp7:
0xde: {  	[tilespmem:s11+$0x0] =	vst v0;
	(pc) =	sbr.rel @p0 .LBB2_1-.Ltmp7, $4  }
0xdf: {  	[hbm4b:s4+s6] =	stream.strided.scatter [tilespmem:s2], [sflag:$0x1], $0x8000, s7, s6, $0x38;
	[tilespmem:$0x14000] =	vst v63  }
0xe0: {  	_ =	swait.ge [sflag:s8], $0x8000  }
0xe1: {  	[sflag:s8] =	ssyncset.done $0x0  }
0xe2: {  	[sflag:s8] =	ssyncadd.s32 $0xFFFF8000  }
0xe3: {  	_ =	sfence.sel $0x180000  }
0xe4: {  	[bflag:$0x0] =	sbarrier.arrive $0xFFFF  }
0xe5: {  	p0 =	sne.s32 s1, $0x0;
	_ =	strace $0x90000047  }
0xe6: {  	s0 =	sadd.s32 @!p0 $0x100000, s0;
	[bflag:$0x2] =	sbarrier.arrive $0xFFFF  }
0xe7: {  	[sflag:s0] =	ssyncadd.tile.s32 @!p0 $0x1;
	_ =	shalt  }
.Lfunc_end2:
_tile_overlayer_lowered:
.L_overlay_start_2:
0xe8: {  	(tag) =	ssettag $0x2  }
0xe9: {  	s0 =	rddreg [dreg:$0x0];
	s2 =	stileid.u32  }
0xea: {  	s1 =	rddreg [dreg:$0x1];
	p0 =	sne.s32 s2, $0x0  }
0xeb: {  	s3 =	rddreg [dreg:$0x2];
	[bflag:$0x3] =	sbarrier.arrive $0xFFFF;
	s2 =	simm.s32 @!p0 $0x1C01  }
0xec: {  	[timem:s3], [sflag:s2] =	dma.local @!p0 [hbm:s0], s1  }
0xed: {  	s0 =	simm.s32 @!p0 $0x1  }
0xee: {  	_ =	swait.ge @!p0 [sflag:s0], s1  }
0xef: {  	s1 =	ssub.s32 @!p0 $0x0, s1;
	[sflag:s0] =	ssyncset.done @!p0 $0x0  }
0xf0: {  	[sflag:s0] =	ssyncadd.s32 @!p0 s1  }
0xf1: {  	[bflag:$0x3] =	sbarrier.arrive $0xFFFF  }
0xf2: {  	_ =	shalt  }

</sc_bundles>
